<compile_context>
chip_gen: v7x
topology: tpu7x:2x2x1
jax: 0.10.2.dev20260603
libtpu: 0.0.44.dev20260713+nightly
codegen_flags: <defaults>
</compile_context>

<pallas_src>
import functools

import jax
import jax.numpy as jnp
from jax import lax
from jax.experimental import pallas as pl
from jax.experimental.pallas import tpu as pltpu
from jax.experimental.pallas import tpu_sc as plsc

_NTOKEN = 10000
_NINP = 512
_NHID = 1024
_SEQ = 64
_BATCH = 32
_NG = 3 * _NHID
_B = _SEQ * _BATCH

_NW = 32
_BPW = _B // _NW


def _make_emb_gather():
    mesh = plsc.VectorSubcoreMesh(core_axis_name="c", subcore_axis_name="s")
    out = jax.ShapeDtypeStruct((_B, _NINP), jnp.float32)

    @functools.partial(
        pl.kernel,
        out_type=[out, out],
        mesh=mesh,
        scratch_types=[
            pltpu.VMEM((_BPW,), jnp.int32),
            pltpu.VMEM((_BPW,), jnp.int32),
            pltpu.VMEM((_BPW, _NINP), jnp.float32),
            pltpu.VMEM((_BPW, _NINP), jnp.float32),
            pltpu.SemaphoreType.DMA,
            pltpu.SemaphoreType.DMA,
        ],
    )
    def emb_gather(ta, ia, tb, ib, out_a, out_b, idx_a, idx_b, rows_a, rows_b,
                   sem_a, sem_b):
        wid = lax.axis_index("s") * 2 + lax.axis_index("c")
        base = wid * _BPW
        pltpu.sync_copy(ia.at[pl.ds(base, _BPW)], idx_a)
        pltpu.sync_copy(ib.at[pl.ds(base, _BPW)], idx_b)
        cp_a = pltpu.async_copy(ta.at[idx_a], rows_a, sem_a)
        cp_b = pltpu.async_copy(tb.at[idx_b], rows_b, sem_b)
        cp_a.wait()
        pltpu.sync_copy(rows_a, out_a.at[pl.ds(base, _BPW)])
        cp_b.wait()
        pltpu.sync_copy(rows_b, out_b.at[pl.ds(base, _BPW)])

    return emb_gather


_emb_gather_cache = []


def _emb_gather(ta, ia, tb, ib):
    if not _emb_gather_cache:
        _emb_gather_cache.append(_make_emb_gather())
    return _emb_gather_cache[0](ta, ia, tb, ib)


_DN = (((1,), (1,)), ((), ()))


def _proj2_body(x1_ref, x2_ref, w_ref, b_ref, o_ref):
    acc = lax.dot_general(x1_ref[...], w_ref[:, :_NINP], _DN,
                          preferred_element_type=jnp.float32)
    acc = acc + lax.dot_general(x2_ref[...], w_ref[:, _NINP:], _DN,
                                preferred_element_type=jnp.float32)
    o_ref[...] = (acc + b_ref[...]).astype(jnp.bfloat16)


def _proj_body(x_ref, w_ref, b_ref, o_ref):
    xf = x_ref[...].astype(jnp.float32)
    o_ref[...] = lax.dot_general(xf, w_ref[...], _DN,
                                 preferred_element_type=jnp.float32) + b_ref[...]


_M_BLK = 256
_MP_BLK = 512


def _input_proj0(emb, emb2, w_ih, b_ih):
    return pl.pallas_call(
        _proj2_body,
        grid=(_B // _MP_BLK,),
        in_specs=[
            pl.BlockSpec((_MP_BLK, _NINP), lambda i: (i, 0)),
            pl.BlockSpec((_MP_BLK, _NINP), lambda i: (i, 0)),
            pl.BlockSpec((_NG, 2 * _NINP), lambda i: (0, 0)),
            pl.BlockSpec((1, _NG), lambda i: (0, 0)),
        ],
        out_specs=pl.BlockSpec((_MP_BLK, _NG), lambda i: (i, 0)),
        out_shape=jax.ShapeDtypeStruct((_B, _NG), jnp.bfloat16),
    )(emb, emb2, w_ih, b_ih.reshape(1, _NG))


_N_BLK = 2048
_N_GRID = (_NTOKEN + _N_BLK - 1) // _N_BLK


def _decoder(x, dec_w, dec_b):
    return pl.pallas_call(
        _proj_body,
        grid=(_N_GRID, _B // _M_BLK),
        in_specs=[
            pl.BlockSpec((_M_BLK, _NHID), lambda jn, jm: (jm, 0)),
            pl.BlockSpec((_N_BLK, _NHID), lambda jn, jm: (jn, 0)),
            pl.BlockSpec((1, _N_BLK), lambda jn, jm: (0, jn)),
        ],
        out_specs=pl.BlockSpec((_M_BLK, _N_BLK), lambda jn, jm: (jm, jn)),
        out_shape=jax.ShapeDtypeStruct((_B, _NTOKEN), jnp.float32),
    )(x, dec_w, dec_b.reshape(1, _NTOKEN))


def _gates(gi, gh, h):
    r = jax.nn.sigmoid(gi[:, :_NHID] + gh[:, :_NHID])
    z = jax.nn.sigmoid(gi[:, _NHID:2 * _NHID] + gh[:, _NHID:2 * _NHID])
    n = jnp.tanh(gi[:, 2 * _NHID:] + r * gh[:, 2 * _NHID:])
    return (1.0 - z) * n + z * h


_U = 4
_NS = _SEQ // _U


def _gru2_body(h0i_ref, h1i_ref, gi0_ref, whh0_ref, wih1_ref, whh1_ref,
               bhh0_ref, bih1_ref, bhh1_ref, y_ref, h0l_ref,
               x1_ref, h0_ref, h1_ref):
    s = pl.program_id(0)

    @pl.when(s == 0)
    def _init():
        h0_ref[...] = h0i_ref[...]
        h1_ref[...] = h1i_ref[...]

    x1_prev = x1_ref[...].reshape(_U * _BATCH, _NHID)
    h0 = h0_ref[...]
    h1 = h1_ref[...]

    bf = jnp.bfloat16

    gi1c = jnp.dot(x1_prev.astype(bf), wih1_ref[...],
                   preferred_element_type=jnp.float32) + bih1_ref[...]

    h0outs = []
    for u in range(_U):
        gh0 = jnp.dot(h0.astype(bf), whh0_ref[...],
                      preferred_element_type=jnp.float32) + bhh0_ref[...]
        h0 = _gates(gi0_ref[u], gh0, h0)
        h0outs.append(h0)

    h1outs = []
    for u in range(_U):
        gh1 = jnp.dot(h1.astype(bf), whh1_ref[...],
                      preferred_element_type=jnp.float32) + bhh1_ref[...]
        h1 = _gates(gi1c[u * _BATCH:(u + 1) * _BATCH], gh1, h1)
        h1outs.append(h1)

    @pl.when(s < _NS)
    def _commit0():
        h0_ref[...] = h0
        for u in range(_U):
            x1_ref[u] = h0outs[u]
        h0l_ref[...] = h0

    @pl.when(s > 0)
    def _commit1():
        h1_ref[...] = h1
        for u in range(_U):
            y_ref[u] = h1outs[u].astype(bf)


def _gru2(gi0, h0, h1, w_hh0, b_hh0, w_ih1, b_ih1, w_hh1, b_hh1):
    cvmem = lambda: pltpu.VMEM((_BATCH, _NHID), jnp.float32)
    pl_call = pl.pallas_call(
        _gru2_body,
        grid=(_NS + 1,),
        in_specs=[
            pl.BlockSpec((_BATCH, _NHID), lambda t: (0, 0)),
            pl.BlockSpec((_BATCH, _NHID), lambda t: (0, 0)),
            pl.BlockSpec((_U, _BATCH, _NG),
                         lambda t: (jnp.minimum(t, _NS - 1), 0, 0)),
            pl.BlockSpec((_NHID, _NG), lambda t: (0, 0)),
            pl.BlockSpec((_NHID, _NG), lambda t: (0, 0)),
            pl.BlockSpec((_NHID, _NG), lambda t: (0, 0)),
            pl.BlockSpec((1, _NG), lambda t: (0, 0)),
            pl.BlockSpec((1, _NG), lambda t: (0, 0)),
            pl.BlockSpec((1, _NG), lambda t: (0, 0)),
        ],
        out_specs=[
            pl.BlockSpec((_U, _BATCH, _NHID),
                         lambda t: (jnp.maximum(t - 1, 0), 0, 0)),
            pl.BlockSpec((_BATCH, _NHID), lambda t: (0, 0)),
        ],
        out_shape=[
            jax.ShapeDtypeStruct((_SEQ, _BATCH, _NHID), jnp.bfloat16),
            jax.ShapeDtypeStruct((_BATCH, _NHID), jnp.float32),
        ],
        scratch_shapes=[pltpu.VMEM((_U, _BATCH, _NHID), jnp.float32),
                        cvmem(), cvmem()],
    )
    bf = jnp.bfloat16
    return pl_call(h0, h1, gi0, w_hh0.T.astype(bf), w_ih1.T.astype(bf),
                   w_hh1.T.astype(bf), b_hh0.reshape(1, _NG),
                   b_ih1.reshape(1, _NG), b_hh1.reshape(1, _NG))


def kernel(input, hidden, extra_notes, enc_w, enc_lyr_w, W_ih0, W_hh0, b_ih0,
           b_hh0, W_ih1, W_hh1, b_ih1, b_hh1, dec_w, dec_b):
    half = input.shape[0] // 2
    idx_a = input[:half].reshape(_B)
    idx_b = input[half:].reshape(_B)

    emb, emb2 = _emb_gather(enc_w, idx_a, enc_lyr_w, idx_b)

    gi0 = _input_proj0(emb, emb2, W_ih0, b_ih0)
    y1, h0f = _gru2(gi0.reshape(_SEQ, _BATCH, _NG), hidden[0], hidden[1],
                    W_hh0, b_hh0, W_ih1, b_ih1, W_hh1, b_hh1)

    decoded = _decoder(y1.reshape(_B, _NHID), dec_w, dec_b)
    decoded = decoded.reshape(_SEQ, _BATCH, _NTOKEN)
    hidden_out = jnp.stack([h0f, y1[-1].astype(jnp.float32)], axis=0)
    return decoded, hidden_out

# --- scband reference (transcript-rebuilt; emitter-appended) ---
"""Pipeline reference for scband-rnnmodel-49478023249954 (READ-ONLY COPY).

The authoritative reference and input builder live on the scoring server;
editing this copy changes nothing except your own understanding.
"""

import jax, jax.numpy as jnp
import numpy as np

NTOKEN = 10000
NINP = 512
NHID = 1024
NLAYERS = 2
SEQ = 64
BATCH = 32


def _uniform(key, shape, lim):
    return jax.random.uniform(key, shape, minval=-lim, maxval=lim, dtype=jnp.float32)


def setup_inputs(seed: int = 0):
    key = jax.random.key(seed)
    ks = jax.random.split(key, 16)
    lim = 1.0 / np.sqrt(NHID)
    inp = {}
    inp["input"] = jax.random.randint(ks[0], (2 * SEQ, BATCH), 0, NTOKEN, dtype=jnp.int32)
    inp["hidden"] = jnp.zeros((NLAYERS, BATCH, NHID), dtype=jnp.float32)
    inp["extra_notes"] = jax.random.randint(ks[1], (1, SEQ, BATCH), 0, NTOKEN, dtype=jnp.int32)
    inp["enc_w"] = _uniform(ks[2], (NTOKEN, NINP), 0.1)
    inp["enc_lyr_w"] = _uniform(ks[3], (NTOKEN, NINP), 0.1)
    inp["W_ih0"] = _uniform(ks[4], (3 * NHID, 2 * NINP), lim)
    inp["W_hh0"] = _uniform(ks[5], (3 * NHID, NHID), lim)
    inp["b_ih0"] = _uniform(ks[6], (3 * NHID,), lim)
    inp["b_hh0"] = _uniform(ks[7], (3 * NHID,), lim)
    inp["W_ih1"] = _uniform(ks[8], (3 * NHID, NHID), lim)
    inp["W_hh1"] = _uniform(ks[9], (3 * NHID, NHID), lim)
    inp["b_ih1"] = _uniform(ks[10], (3 * NHID,), lim)
    inp["b_hh1"] = _uniform(ks[11], (3 * NHID,), lim)
    inp["dec_w"] = _uniform(ks[12], (NTOKEN, NHID), 0.1)
    inp["dec_b"] = jnp.zeros((NTOKEN,), dtype=jnp.float32)
    return inp


def _gru_layer(x_seq, h0, W_ih, W_hh, b_ih, b_hh):
    # PyTorch GRU cell semantics
    def step(h, x):
        gi = x @ W_ih.T + b_ih
        gh = h @ W_hh.T + b_hh
        i_r, i_z, i_n = jnp.split(gi, 3, axis=-1)
        h_r, h_z, h_n = jnp.split(gh, 3, axis=-1)
        r = jax.nn.sigmoid(i_r + h_r)
        z = jax.nn.sigmoid(i_z + h_z)
        n = jnp.tanh(i_n + r * h_n)
        h_new = (1.0 - z) * n + z * h
        return h_new, h_new
    h_last, ys = jax.lax.scan(step, h0, x_seq)
    return ys, h_last


def reference(input, hidden, extra_notes, enc_w, enc_lyr_w, W_ih0, W_hh0, b_ih0, b_hh0, W_ih1, W_hh1, b_ih1, b_hh1, dec_w, dec_b):
    # ncontext is None and sentiment is None, so extra_notes is unused and
    # dropout is identity (eval mode).
    half = input.shape[0] // 2
    data = input[:half]
    data_lyrics = input[half:]
    emb = jnp.take(enc_w, data, axis=0)            # [SEQ, B, NINP]
    emb2 = jnp.take(enc_lyr_w, data_lyrics, axis=0)  # [SEQ, B, NINP]
    emb_combined = jnp.concatenate([emb, emb2], axis=2)  # [SEQ, B, 2*NINP]
    y0, h0f = _gru_layer(emb_combined, hidden[0], W_ih0, W_hh0, b_ih0, b_hh0)
    y1, h1f = _gru_layer(y0, hidden[1], W_ih1, W_hh1, b_ih1, b_hh1)
    s, b, _ = y1.shape
    decoded = y1.reshape(s * b, NHID) @ dec_w.T + dec_b
    decoded = decoded.reshape(s, b, NTOKEN)
    hidden_out = jnp.stack([h0f, h1f], axis=0)
    return decoded, hidden_out

if __name__ == "__main__":
    import jax
    _d = setup_inputs()
    print(jax.jit(kernel)(*tuple(_d.values())))

</pallas_src>

<mosaic_0001>
#map = affine_map<(d0, d1) -> (0, 0)>
#map1 = affine_map<(d0, d1) -> (0)>
module attributes {stable_mosaic.version = 14 : i64} {
  func.func @emb_gather(%arg0: i32, %arg1: i32, %arg2: memref<10000x512xf32, #tpu.memory_space<hbm>>, %arg3: memref<2048xi32, #tpu.memory_space<hbm>>, %arg4: memref<10000x512xf32, #tpu.memory_space<hbm>>, %arg5: memref<2048xi32, #tpu.memory_space<hbm>>, %arg6: memref<2048x512xf32, #tpu.memory_space<hbm>>, %arg7: memref<2048x512xf32, #tpu.memory_space<hbm>>, %arg8: memref<64xi32, #tpu.memory_space<vmem>>, %arg9: memref<64xi32, #tpu.memory_space<vmem>>, %arg10: memref<64x512xf32, #tpu.memory_space<vmem>>, %arg11: memref<64x512xf32, #tpu.memory_space<vmem>>, %arg12: memref<!tpu.dma_semaphore, #tpu.memory_space<semaphore_mem>>, %arg13: memref<!tpu.dma_semaphore, #tpu.memory_space<semaphore_mem>>) attributes {dimension_semantics = [#tpu.dimension_semantics<core_parallel>, #tpu.dimension_semantics<subcore_parallel>], iteration_bounds = array<i64: 2, 16>, scalar_prefetch = 0 : i64, scratch_operands = 6 : i64, tpu.core_type = #tpu.core_type<sc_vector_subcore>, window_params = [{transform_indices = #map}, {transform_indices = #map1}, {transform_indices = #map}, {transform_indices = #map1}, {transform_indices = #map}, {transform_indices = #map}]} {
    %mul3A = arith.constant 2 : i32
    %mul3A_0 = arith.muli %arg1, %mul3A : i32
    %add3A = arith.addi %mul3A_0, %arg0 : i32
    %mul3A_1 = arith.constant 64 : i32
    %mul3A_2 = arith.muli %add3A, %mul3A_1 : i32
    "tpu.region"() ({
      %run_scoped3A = tpu.sem_alloc : memref<!tpu.dma_semaphore, #tpu.memory_space<semaphore_mem>>
      %dma_start3A_13 = tpu.memref_slice %arg3[%mul3A_2] : memref<2048xi32, #tpu.memory_space<hbm>> -> memref<64xi32, #tpu.memory_space<hbm>>
      %dma_start3A_14 = tpu.memref_slice %arg3[%mul3A_2] : memref<2048xi32, #tpu.memory_space<hbm>> -> memref<64xi32, #tpu.memory_space<hbm>>
      tpu.enqueue_dma source(%dma_start3A_14 : memref<64xi32, #tpu.memory_space<hbm>>) target(%arg8 : memref<64xi32, #tpu.memory_space<vmem>>) target_semaphore(%run_scoped3A : memref<!tpu.dma_semaphore, #tpu.memory_space<semaphore_mem>>)
      %dma_wait3A_15 = tpu.memref_slice %arg3[%mul3A_2] : memref<2048xi32, #tpu.memory_space<hbm>> -> memref<64xi32, #tpu.memory_space<hbm>>
      %dma_wait3A_16 = tpu.memref_slice %arg3[%mul3A_2] : memref<2048xi32, #tpu.memory_space<hbm>> -> memref<64xi32, #tpu.memory_space<hbm>>
      tpu.wait_dma2 semaphore(%run_scoped3A : memref<!tpu.dma_semaphore, #tpu.memory_space<semaphore_mem>>) src(%dma_wait3A_16 : memref<64xi32, #tpu.memory_space<hbm>>) dst(%arg8 : memref<64xi32, #tpu.memory_space<vmem>>)
      tpu.yield
    }) : () -> ()
    "tpu.region"() ({
      %run_scoped3A = tpu.sem_alloc : memref<!tpu.dma_semaphore, #tpu.memory_space<semaphore_mem>>
      %dma_start3A_13 = tpu.memref_slice %arg5[%mul3A_2] : memref<2048xi32, #tpu.memory_space<hbm>> -> memref<64xi32, #tpu.memory_space<hbm>>
      %dma_start3A_14 = tpu.memref_slice %arg5[%mul3A_2] : memref<2048xi32, #tpu.memory_space<hbm>> -> memref<64xi32, #tpu.memory_space<hbm>>
      tpu.enqueue_dma source(%dma_start3A_14 : memref<64xi32, #tpu.memory_space<hbm>>) target(%arg9 : memref<64xi32, #tpu.memory_space<vmem>>) target_semaphore(%run_scoped3A : memref<!tpu.dma_semaphore, #tpu.memory_space<semaphore_mem>>)
      %dma_wait3A_15 = tpu.memref_slice %arg5[%mul3A_2] : memref<2048xi32, #tpu.memory_space<hbm>> -> memref<64xi32, #tpu.memory_space<hbm>>
      %dma_wait3A_16 = tpu.memref_slice %arg5[%mul3A_2] : memref<2048xi32, #tpu.memory_space<hbm>> -> memref<64xi32, #tpu.memory_space<hbm>>
      tpu.wait_dma2 semaphore(%run_scoped3A : memref<!tpu.dma_semaphore, #tpu.memory_space<semaphore_mem>>) src(%dma_wait3A_16 : memref<64xi32, #tpu.memory_space<hbm>>) dst(%arg9 : memref<64xi32, #tpu.memory_space<vmem>>)
      tpu.yield
    }) : () -> ()
    %dma_start3A = arith.constant 0 : i32
    %dma_start3A_3 = arith.constant 0 : i32
    %dma_start3A_4 = tpu.memref_slice %arg2[%dma_start3A, %dma_start3A_3] : memref<10000x512xf32, #tpu.memory_space<hbm>> -> memref<10000x512xf32, #tpu.memory_space<hbm>>
    tpu.enqueue_indirect_dma source(%dma_start3A_4 : memref<10000x512xf32, #tpu.memory_space<hbm>>) target(%arg10 : memref<64x512xf32, #tpu.memory_space<vmem>>) offsets(%arg8 : memref<64xi32, #tpu.memory_space<vmem>>) semaphore(%arg12 : memref<!tpu.dma_semaphore, #tpu.memory_space<semaphore_mem>>)
    %dma_start3A_5 = arith.constant 0 : i32
    %dma_start3A_6 = arith.constant 0 : i32
    %dma_start3A_7 = tpu.memref_slice %arg4[%dma_start3A_5, %dma_start3A_6] : memref<10000x512xf32, #tpu.memory_space<hbm>> -> memref<10000x512xf32, #tpu.memory_space<hbm>>
    tpu.enqueue_indirect_dma source(%dma_start3A_7 : memref<10000x512xf32, #tpu.memory_space<hbm>>) target(%arg11 : memref<64x512xf32, #tpu.memory_space<vmem>>) offsets(%arg9 : memref<64xi32, #tpu.memory_space<vmem>>) semaphore(%arg13 : memref<!tpu.dma_semaphore, #tpu.memory_space<semaphore_mem>>)
    %dma_wait3A = arith.constant 0 : i32
    %dma_wait3A_8 = arith.constant 0 : i32
    %dma_wait3A_9 = tpu.memref_slice %arg2[%dma_wait3A, %dma_wait3A_8] : memref<10000x512xf32, #tpu.memory_space<hbm>> -> memref<10000x512xf32, #tpu.memory_space<hbm>>
    tpu.wait_indirect_dma semaphore(%arg12 : memref<!tpu.dma_semaphore, #tpu.memory_space<semaphore_mem>>) src(%dma_wait3A_9 : memref<10000x512xf32, #tpu.memory_space<hbm>>) dst(%arg10 : memref<64x512xf32, #tpu.memory_space<vmem>>)
    "tpu.region"() ({
      %run_scoped3A = tpu.sem_alloc : memref<!tpu.dma_semaphore, #tpu.memory_space<semaphore_mem>>
      %dma_start3A_13 = arith.constant 0 : i32
      %dma_start3A_14 = tpu.memref_slice %arg6[%mul3A_2, %dma_start3A_13] : memref<2048x512xf32, #tpu.memory_space<hbm>> -> memref<64x512xf32, #tpu.memory_space<hbm>>
      %dma_start3A_15 = arith.constant 0 : i32
      %dma_start3A_16 = tpu.memref_slice %arg6[%mul3A_2, %dma_start3A_15] : memref<2048x512xf32, #tpu.memory_space<hbm>> -> memref<64x512xf32, #tpu.memory_space<hbm>>
      tpu.enqueue_dma source(%arg10 : memref<64x512xf32, #tpu.memory_space<vmem>>) target(%dma_start3A_16 : memref<64x512xf32, #tpu.memory_space<hbm>>) target_semaphore(%run_scoped3A : memref<!tpu.dma_semaphore, #tpu.memory_space<semaphore_mem>>)
      %dma_wait3A_17 = arith.constant 0 : i32
      %dma_wait3A_18 = tpu.memref_slice %arg6[%mul3A_2, %dma_wait3A_17] : memref<2048x512xf32, #tpu.memory_space<hbm>> -> memref<64x512xf32, #tpu.memory_space<hbm>>
      %dma_wait3A_19 = arith.constant 0 : i32
      %dma_wait3A_20 = tpu.memref_slice %arg6[%mul3A_2, %dma_wait3A_19] : memref<2048x512xf32, #tpu.memory_space<hbm>> -> memref<64x512xf32, #tpu.memory_space<hbm>>
      tpu.wait_dma2 semaphore(%run_scoped3A : memref<!tpu.dma_semaphore, #tpu.memory_space<semaphore_mem>>) src(%arg10 : memref<64x512xf32, #tpu.memory_space<vmem>>) dst(%dma_wait3A_20 : memref<64x512xf32, #tpu.memory_space<hbm>>)
      tpu.yield
    }) : () -> ()
    %dma_wait3A_10 = arith.constant 0 : i32
    %dma_wait3A_11 = arith.constant 0 : i32
    %dma_wait3A_12 = tpu.memref_slice %arg4[%dma_wait3A_10, %dma_wait3A_11] : memref<10000x512xf32, #tpu.memory_space<hbm>> -> memref<10000x512xf32, #tpu.memory_space<hbm>>
    tpu.wait_indirect_dma semaphore(%arg13 : memref<!tpu.dma_semaphore, #tpu.memory_space<semaphore_mem>>) src(%dma_wait3A_12 : memref<10000x512xf32, #tpu.memory_space<hbm>>) dst(%arg11 : memref<64x512xf32, #tpu.memory_space<vmem>>)
    "tpu.region"() ({
      %run_scoped3A = tpu.sem_alloc : memref<!tpu.dma_semaphore, #tpu.memory_space<semaphore_mem>>
      %dma_start3A_13 = arith.constant 0 : i32
      %dma_start3A_14 = tpu.memref_slice %arg7[%mul3A_2, %dma_start3A_13] : memref<2048x512xf32, #tpu.memory_space<hbm>> -> memref<64x512xf32, #tpu.memory_space<hbm>>
      %dma_start3A_15 = arith.constant 0 : i32
      %dma_start3A_16 = tpu.memref_slice %arg7[%mul3A_2, %dma_start3A_15] : memref<2048x512xf32, #tpu.memory_space<hbm>> -> memref<64x512xf32, #tpu.memory_space<hbm>>
      tpu.enqueue_dma source(%arg11 : memref<64x512xf32, #tpu.memory_space<vmem>>) target(%dma_start3A_16 : memref<64x512xf32, #tpu.memory_space<hbm>>) target_semaphore(%run_scoped3A : memref<!tpu.dma_semaphore, #tpu.memory_space<semaphore_mem>>)
      %dma_wait3A_17 = arith.constant 0 : i32
      %dma_wait3A_18 = tpu.memref_slice %arg7[%mul3A_2, %dma_wait3A_17] : memref<2048x512xf32, #tpu.memory_space<hbm>> -> memref<64x512xf32, #tpu.memory_space<hbm>>
      %dma_wait3A_19 = arith.constant 0 : i32
      %dma_wait3A_20 = tpu.memref_slice %arg7[%mul3A_2, %dma_wait3A_19] : memref<2048x512xf32, #tpu.memory_space<hbm>> -> memref<64x512xf32, #tpu.memory_space<hbm>>
      tpu.wait_dma2 semaphore(%run_scoped3A : memref<!tpu.dma_semaphore, #tpu.memory_space<semaphore_mem>>) src(%arg11 : memref<64x512xf32, #tpu.memory_space<vmem>>) dst(%dma_wait3A_20 : memref<64x512xf32, #tpu.memory_space<hbm>>)
      tpu.yield
    }) : () -> ()
    return
  }
}

module attributes {stable_mosaic.version = 14 : i64} {
  func.func @_proj2_body(%arg0: i32, %arg1: memref<512x512xf32, #tpu.memory_space<vmem>>, %arg2: memref<512x512xf32, #tpu.memory_space<vmem>>, %arg3: memref<3072x1024xf32, #tpu.memory_space<vmem>>, %arg4: memref<1x3072xf32, #tpu.memory_space<vmem>>, %arg5: memref<512x3072xbf16, #tpu.memory_space<vmem>>) attributes {dimension_semantics = [#tpu.dimension_semantics<arbitrary>], iteration_bounds = array<i64: 4>, scalar_prefetch = 0 : i64, scratch_operands = 0 : i64, tpu.core_type = #tpu.core_type<tc>, window_params = [{transform_indices = @transform_0, window_bounds = array<i64: 512, 512>}, {transform_indices = @transform_1, window_bounds = array<i64: 512, 512>}, {pipeline_mode = #tpu.pipeline_mode<synchronous>, transform_indices = @transform_2, window_bounds = array<i64: 3072, 1024>}, {pipeline_mode = #tpu.pipeline_mode<synchronous>, transform_indices = @transform_3, window_bounds = array<i64: 1, 3072>}, {transform_indices = @transform_4, window_bounds = array<i64: 512, 3072>}]} {
    %get3A = arith.constant 0 : index
    %get3A_0 = arith.constant 0 : index
    %get3A_1 = vector.load %arg1[%get3A, %get3A_0] : memref<512x512xf32, #tpu.memory_space<vmem>>, vector<512x512xf32>
    %get3A_2 = arith.constant 0 : index
    %get3A_3 = arith.constant 0 : index
    %get3A_4 = vector.load %arg3[%get3A_2, %get3A_3] : memref<3072x1024xf32, #tpu.memory_space<vmem>>, vector<3072x512xf32>
    %dot_general3A = arith.constant dense<0.000000e+00> : vector<512x3072xf32>
    %dot_general3A_5 = tpu.matmul %get3A_1, %get3A_4, %dot_general3A {dimension_numbers = #tpu.dot_dimension_numbers<[1], [1], [0], [0], [0, 0, 1, 0], [], []>, transpose_lhs_hint = false} : vector<512x512xf32>, vector<3072x512xf32>, vector<512x3072xf32> -> vector<512x3072xf32>
    %get3A_6 = arith.constant 0 : index
    %get3A_7 = arith.constant 0 : index
    %get3A_8 = vector.load %arg2[%get3A_6, %get3A_7] : memref<512x512xf32, #tpu.memory_space<vmem>>, vector<512x512xf32>
    %get3A_9 = arith.constant 0 : index
    %get3A_10 = arith.constant 512 : index
    %get3A_11 = vector.load %arg3[%get3A_9, %get3A_10] : memref<3072x1024xf32, #tpu.memory_space<vmem>>, vector<3072x512xf32>
    %dot_general3A_12 = arith.constant dense<0.000000e+00> : vector<512x3072xf32>
    %dot_general3A_13 = tpu.matmul %get3A_8, %get3A_11, %dot_general3A_12 {dimension_numbers = #tpu.dot_dimension_numbers<[1], [1], [0], [0], [0, 0, 1, 0], [], []>, transpose_lhs_hint = false} : vector<512x512xf32>, vector<3072x512xf32>, vector<512x3072xf32> -> vector<512x3072xf32>
    %add3A = arith.addf %dot_general3A_5, %dot_general3A_13 : vector<512x3072xf32>
    %get3A_14 = arith.constant 0 : index
    %get3A_15 = arith.constant 0 : index
    %get3A_16 = vector.load %arg4[%get3A_14, %get3A_15] : memref<1x3072xf32, #tpu.memory_space<vmem>>, vector<1x3072xf32>
    %add3A_17 = vector.broadcast %get3A_16 : vector<1x3072xf32> to vector<512x3072xf32>
    %add3A_18 = arith.addf %add3A, %add3A_17 : vector<512x3072xf32>
    %convert_element_type3A = arith.truncf %add3A_18 : vector<512x3072xf32> to vector<512x3072xbf16>
    %swap3A = arith.constant 0 : index
    %swap3A_19 = arith.constant 0 : index
    %swap3A_20 = vector.load %arg5[%swap3A, %swap3A_19] : memref<512x3072xbf16, #tpu.memory_space<vmem>>, vector<512x3072xbf16>
    tpu.vector_store %arg5[%swap3A, %swap3A_19], %convert_element_type3A {strides = array<i32>} : memref<512x3072xbf16, #tpu.memory_space<vmem>>, vector<512x3072xbf16>,
    return
  }
  func.func @transform_0(%arg0: i32) -> (i32, i32) {
    %c0_i32 = arith.constant 0 : i32
    %c0_i32_0 = arith.constant 0 : i32
    return %arg0, %c0_i32 : i32, i32
  }
  func.func @transform_1(%arg0: i32) -> (i32, i32) {
    %c0_i32 = arith.constant 0 : i32
    %c0_i32_0 = arith.constant 0 : i32
    return %arg0, %c0_i32 : i32, i32
  }
  func.func @transform_2(%arg0: i32) -> (i32, i32) {
    %c0_i32 = arith.constant 0 : i32
    %c0_i32_0 = arith.constant 0 : i32
    %c0_i32_1 = arith.constant 0 : i32
    return %c0_i32, %c0_i32_0 : i32, i32
  }
  func.func @transform_3(%arg0: i32) -> (i32, i32) {
    %c0_i32 = arith.constant 0 : i32
    %c0_i32_0 = arith.constant 0 : i32
    %c0_i32_1 = arith.constant 0 : i32
    return %c0_i32, %c0_i32_0 : i32, i32
  }
  func.func @transform_4(%arg0: i32) -> (i32, i32) {
    %c0_i32 = arith.constant 0 : i32
    %c0_i32_0 = arith.constant 0 : i32
    return %arg0, %c0_i32 : i32, i32
  }
}

module attributes {stable_mosaic.version = 14 : i64} {
  func.func @_gru2_body(%arg0: i32, %arg1: memref<32x1024xf32, #tpu.memory_space<vmem>>, %arg2: memref<32x1024xf32, #tpu.memory_space<vmem>>, %arg3: memref<4x32x3072xbf16, #tpu.memory_space<vmem>>, %arg4: memref<1024x3072xbf16, #tpu.memory_space<vmem>>, %arg5: memref<1024x3072xbf16, #tpu.memory_space<vmem>>, %arg6: memref<1024x3072xbf16, #tpu.memory_space<vmem>>, %arg7: memref<1x3072xf32, #tpu.memory_space<vmem>>, %arg8: memref<1x3072xf32, #tpu.memory_space<vmem>>, %arg9: memref<1x3072xf32, #tpu.memory_space<vmem>>, %arg10: memref<4x32x1024xbf16, #tpu.memory_space<vmem>>, %arg11: memref<32x1024xf32, #tpu.memory_space<vmem>>, %arg12: memref<4x32x1024xf32, #tpu.memory_space<vmem>>, %arg13: memref<32x1024xf32, #tpu.memory_space<vmem>>, %arg14: memref<32x1024xf32, #tpu.memory_space<vmem>>) attributes {dimension_semantics = [#tpu.dimension_semantics<arbitrary>], iteration_bounds = array<i64: 17>, scalar_prefetch = 0 : i64, scratch_operands = 3 : i64, tpu.core_type = #tpu.core_type<tc>, window_params = [{pipeline_mode = #tpu.pipeline_mode<synchronous>, transform_indices = @transform_0, window_bounds = array<i64: 32, 1024>}, {pipeline_mode = #tpu.pipeline_mode<synchronous>, transform_indices = @transform_1, window_bounds = array<i64: 32, 1024>}, {transform_indices = @transform_2, window_bounds = array<i64: 4, 32, 3072>}, {pipeline_mode = #tpu.pipeline_mode<synchronous>, transform_indices = @transform_3, window_bounds = array<i64: 1024, 3072>}, {pipeline_mode = #tpu.pipeline_mode<synchronous>, transform_indices = @transform_4, window_bounds = array<i64: 1024, 3072>}, {pipeline_mode = #tpu.pipeline_mode<synchronous>, transform_indices = @transform_5, window_bounds = array<i64: 1024, 3072>}, {pipeline_mode = #tpu.pipeline_mode<synchronous>, transform_indices = @transform_6, window_bounds = array<i64: 1, 3072>}, {pipeline_mode = #tpu.pipeline_mode<synchronous>, transform_indices = @transform_7, window_bounds = array<i64: 1, 3072>}, {pipeline_mode = #tpu.pipeline_mode<synchronous>, transform_indices = @transform_8, window_bounds = array<i64: 1, 3072>}, {transform_indices = @transform_9, window_bounds = array<i64: 4, 32, 1024>}, {pipeline_mode = #tpu.pipeline_mode<synchronous>, transform_indices = @transform_10, window_bounds = array<i64: 32, 1024>}]} {
    %eq3A = arith.constant 0 : i32
    %eq3A_0 = arith.cmpi eq, %arg0, %eq3A : i32
    %convert_element_type3A = arith.extui %eq3A_0 : i1 to i32
    %cond3A = arith.constant 0 : i32
    %cond3A_1 = arith.cmpi ne, %convert_element_type3A, %cond3A : i32
    scf.if %cond3A_1 {
      %get3A_379 = arith.constant 0 : index
      %get3A_380 = arith.constant 0 : index
      %get3A_381 = vector.load %arg1[%get3A_379, %get3A_380] : memref<32x1024xf32, #tpu.memory_space<vmem>>, vector<32x1024xf32>
      %swap3A = arith.constant 0 : index
      %swap3A_382 = arith.constant 0 : index
      %swap3A_383 = vector.load %arg13[%swap3A, %swap3A_382] : memref<32x1024xf32, #tpu.memory_space<vmem>>, vector<32x1024xf32>
      tpu.vector_store %arg13[%swap3A, %swap3A_382], %get3A_381 {strides = array<i32>} : memref<32x1024xf32, #tpu.memory_space<vmem>>, vector<32x1024xf32>,
      %get3A_384 = arith.constant 0 : index
      %get3A_385 = arith.constant 0 : index
      %get3A_386 = vector.load %arg2[%get3A_384, %get3A_385] : memref<32x1024xf32, #tpu.memory_space<vmem>>, vector<32x1024xf32>
      %swap3A_387 = arith.constant 0 : index
      %swap3A_388 = arith.constant 0 : index
      %swap3A_389 = vector.load %arg14[%swap3A_387, %swap3A_388] : memref<32x1024xf32, #tpu.memory_space<vmem>>, vector<32x1024xf32>
      tpu.vector_store %arg14[%swap3A_387, %swap3A_388], %get3A_386 {strides = array<i32>} : memref<32x1024xf32, #tpu.memory_space<vmem>>, vector<32x1024xf32>,
    } else {
    }
    %get3A = arith.constant 0 : index
    %get3A_2 = arith.constant 0 : index
    %get3A_3 = arith.constant 0 : index
    %get3A_4 = vector.load %arg12[%get3A, %get3A_2, %get3A_3] : memref<4x32x1024xf32, #tpu.memory_space<vmem>>, vector<4x32x1024xf32>
    %reshape3A = vector.shape_cast %get3A_4 : vector<4x32x1024xf32> to vector<128x1024xf32>
    %get3A_5 = arith.constant 0 : index
    %get3A_6 = arith.constant 0 : index
    %get3A_7 = vector.load %arg13[%get3A_5, %get3A_6] : memref<32x1024xf32, #tpu.memory_space<vmem>>, vector<32x1024xf32>
    %get3A_8 = arith.constant 0 : index
    %get3A_9 = arith.constant 0 : index
    %get3A_10 = vector.load %arg14[%get3A_8, %get3A_9] : memref<32x1024xf32, #tpu.memory_space<vmem>>, vector<32x1024xf32>
    %convert_element_type3A_11 = arith.truncf %reshape3A : vector<128x1024xf32> to vector<128x1024xbf16>
    %get3A_12 = arith.constant 0 : index
    %get3A_13 = arith.constant 0 : index
    %get3A_14 = vector.load %arg5[%get3A_12, %get3A_13] : memref<1024x3072xbf16, #tpu.memory_space<vmem>>, vector<1024x3072xbf16>
    %dot_general3A = arith.constant dense<0.000000e+00> : vector<128x3072xf32>
    %dot_general3A_15 = tpu.matmul %convert_element_type3A_11, %get3A_14, %dot_general3A {dimension_numbers = #tpu.dot_dimension_numbers<[1], [0], [0], [1], [0, 0, 1, 1], [], []>, transpose_lhs_hint = false} : vector<128x1024xbf16>, vector<1024x3072xbf16>, vector<128x3072xf32> -> vector<128x3072xf32>
    %get3A_16 = arith.constant 0 : index
    %get3A_17 = arith.constant 0 : index
    %get3A_18 = vector.load %arg8[%get3A_16, %get3A_17] : memref<1x3072xf32, #tpu.memory_space<vmem>>, vector<1x3072xf32>
    %add3A = vector.broadcast %get3A_18 : vector<1x3072xf32> to vector<128x3072xf32>
    %add3A_19 = arith.addf %dot_general3A_15, %add3A : vector<128x3072xf32>
    %convert_element_type3A_20 = arith.truncf %get3A_7 : vector<32x1024xf32> to vector<32x1024xbf16>
    %get3A_21 = arith.constant 0 : index
    %get3A_22 = arith.constant 0 : index
    %get3A_23 = vector.load %arg4[%get3A_21, %get3A_22] : memref<1024x3072xbf16, #tpu.memory_space<vmem>>, vector<1024x3072xbf16>
    %dot_general3A_24 = arith.constant dense<0.000000e+00> : vector<32x3072xf32>
    %dot_general3A_25 = tpu.matmul %convert_element_type3A_20, %get3A_23, %dot_general3A_24 {dimension_numbers = #tpu.dot_dimension_numbers<[1], [0], [0], [1], [0, 0, 1, 1], [], []>, transpose_lhs_hint = false} : vector<32x1024xbf16>, vector<1024x3072xbf16>, vector<32x3072xf32> -> vector<32x3072xf32>
    %get3A_26 = arith.constant 0 : index
    %get3A_27 = arith.constant 0 : index
    %get3A_28 = vector.load %arg7[%get3A_26, %get3A_27] : memref<1x3072xf32, #tpu.memory_space<vmem>>, vector<1x3072xf32>
    %add3A_29 = vector.broadcast %get3A_28 : vector<1x3072xf32> to vector<32x3072xf32>
    %add3A_30 = arith.addf %dot_general3A_25, %add3A_29 : vector<32x3072xf32>
    %get3A_31 = arith.constant 0 : index
    %get3A_32 = arith.constant 0 : index
    %get3A_33 = arith.constant 0 : index
    %get3A_34 = vector.load %arg3[%get3A_31, %get3A_32, %get3A_33] : memref<4x32x3072xbf16, #tpu.memory_space<vmem>>, vector<1x32x3072xbf16>
    %get3A_35 = vector.shape_cast %get3A_34 : vector<1x32x3072xbf16> to vector<32x3072xbf16>
    %slice3A = vector.extract_strided_slice %get3A_35 {offsets = [0, 0], sizes = [32, 1024], strides = [1, 1]} : vector<32x3072xbf16> to vector<32x1024xbf16>
    %slice3A_36 = vector.extract_strided_slice %add3A_30 {offsets = [0, 0], sizes = [32, 1024], strides = [1, 1]} : vector<32x3072xf32> to vector<32x1024xf32>
    %convert_element_type3A_37 = arith.extf %slice3A : vector<32x1024xbf16> to vector<32x1024xf32>
    %add3A_38 = arith.addf %convert_element_type3A_37, %slice3A_36 : vector<32x1024xf32>
    %logistic3A = arith.negf %add3A_38 : vector<32x1024xf32>
    %logistic3A_39 = math.exp %logistic3A : vector<32x1024xf32>
    %logistic3A_40 = arith.constant 1.000000e+00 : f32
    %logistic3A_41 = vector.broadcast %logistic3A_40 : f32 to vector<32x1024xf32>
    %logistic3A_42 = arith.addf %logistic3A_41, %logistic3A_39 : vector<32x1024xf32>
    %logistic3A_43 = arith.divf %logistic3A_41, %logistic3A_42 : vector<32x1024xf32>
    %slice3A_44 = vector.extract_strided_slice %get3A_35 {offsets = [0, 1024], sizes = [32, 1024], strides = [1, 1]} : vector<32x3072xbf16> to vector<32x1024xbf16>
    %slice3A_45 = vector.extract_strided_slice %add3A_30 {offsets = [0, 1024], sizes = [32, 1024], strides = [1, 1]} : vector<32x3072xf32> to vector<32x1024xf32>
    %convert_element_type3A_46 = arith.extf %slice3A_44 : vector<32x1024xbf16> to vector<32x1024xf32>
    %add3A_47 = arith.addf %convert_element_type3A_46, %slice3A_45 : vector<32x1024xf32>
    %logistic3A_48 = arith.negf %add3A_47 : vector<32x1024xf32>
    %logistic3A_49 = math.exp %logistic3A_48 : vector<32x1024xf32>
    %logistic3A_50 = arith.constant 1.000000e+00 : f32
    %logistic3A_51 = vector.broadcast %logistic3A_50 : f32 to vector<32x1024xf32>
    %logistic3A_52 = arith.addf %logistic3A_51, %logistic3A_49 : vector<32x1024xf32>
    %logistic3A_53 = arith.divf %logistic3A_51, %logistic3A_52 : vector<32x1024xf32>
    %slice3A_54 = vector.extract_strided_slice %get3A_35 {offsets = [0, 2048], sizes = [32, 1024], strides = [1, 1]} : vector<32x3072xbf16> to vector<32x1024xbf16>
    %slice3A_55 = vector.extract_strided_slice %add3A_30 {offsets = [0, 2048], sizes = [32, 1024], strides = [1, 1]} : vector<32x3072xf32> to vector<32x1024xf32>
    %mul3A = arith.mulf %logistic3A_43, %slice3A_55 : vector<32x1024xf32>
    %convert_element_type3A_56 = arith.extf %slice3A_54 : vector<32x1024xbf16> to vector<32x1024xf32>
    %add3A_57 = arith.addf %convert_element_type3A_56, %mul3A : vector<32x1024xf32>
    %tanh3A = math.tanh %add3A_57 : vector<32x1024xf32>
    %sub3A = arith.constant 1.000000e+00 : f32
    %sub3A_58 = vector.broadcast %sub3A : f32 to vector<32x1024xf32>
    %sub3A_59 = arith.subf %sub3A_58, %logistic3A_53 : vector<32x1024xf32>
    %mul3A_60 = arith.mulf %sub3A_59, %tanh3A : vector<32x1024xf32>
    %mul3A_61 = arith.mulf %logistic3A_53, %get3A_7 : vector<32x1024xf32>
    %add3A_62 = arith.addf %mul3A_60, %mul3A_61 : vector<32x1024xf32>
    %convert_element_type3A_63 = arith.truncf %add3A_62 : vector<32x1024xf32> to vector<32x1024xbf16>
    %get3A_64 = arith.constant 0 : index
    %get3A_65 = arith.constant 0 : index
    %get3A_66 = vector.load %arg4[%get3A_64, %get3A_65] : memref<1024x3072xbf16, #tpu.memory_space<vmem>>, vector<1024x3072xbf16>
    %dot_general3A_67 = arith.constant dense<0.000000e+00> : vector<32x3072xf32>
    %dot_general3A_68 = tpu.matmul %convert_element_type3A_63, %get3A_66, %dot_general3A_67 {dimension_numbers = #tpu.dot_dimension_numbers<[1], [0], [0], [1], [0, 0, 1, 1], [], []>, transpose_lhs_hint = false} : vector<32x1024xbf16>, vector<1024x3072xbf16>, vector<32x3072xf32> -> vector<32x3072xf32>
    %get3A_69 = arith.constant 0 : index
    %get3A_70 = arith.constant 0 : index
    %get3A_71 = vector.load %arg7[%get3A_69, %get3A_70] : memref<1x3072xf32, #tpu.memory_space<vmem>>, vector<1x3072xf32>
    %add3A_72 = vector.broadcast %get3A_71 : vector<1x3072xf32> to vector<32x3072xf32>
    %add3A_73 = arith.addf %dot_general3A_68, %add3A_72 : vector<32x3072xf32>
    %get3A_74 = arith.constant 1 : index
    %get3A_75 = arith.constant 0 : index
    %get3A_76 = arith.constant 0 : index
    %get3A_77 = vector.load %arg3[%get3A_74, %get3A_75, %get3A_76] : memref<4x32x3072xbf16, #tpu.memory_space<vmem>>, vector<1x32x3072xbf16>
    %get3A_78 = vector.shape_cast %get3A_77 : vector<1x32x3072xbf16> to vector<32x3072xbf16>
    %slice3A_79 = vector.extract_strided_slice %get3A_78 {offsets = [0, 0], sizes = [32, 1024], strides = [1, 1]} : vector<32x3072xbf16> to vector<32x1024xbf16>
    %slice3A_80 = vector.extract_strided_slice %add3A_73 {offsets = [0, 0], sizes = [32, 1024], strides = [1, 1]} : vector<32x3072xf32> to vector<32x1024xf32>
    %convert_element_type3A_81 = arith.extf %slice3A_79 : vector<32x1024xbf16> to vector<32x1024xf32>
    %add3A_82 = arith.addf %convert_element_type3A_81, %slice3A_80 : vector<32x1024xf32>
    %logistic3A_83 = arith.negf %add3A_82 : vector<32x1024xf32>
    %logistic3A_84 = math.exp %logistic3A_83 : vector<32x1024xf32>
    %logistic3A_85 = arith.constant 1.000000e+00 : f32
    %logistic3A_86 = vector.broadcast %logistic3A_85 : f32 to vector<32x1024xf32>
    %logistic3A_87 = arith.addf %logistic3A_86, %logistic3A_84 : vector<32x1024xf32>
    %logistic3A_88 = arith.divf %logistic3A_86, %logistic3A_87 : vector<32x1024xf32>
    %slice3A_89 = vector.extract_strided_slice %get3A_78 {offsets = [0, 1024], sizes = [32, 1024], strides = [1, 1]} : vector<32x3072xbf16> to vector<32x1024xbf16>
    %slice3A_90 = vector.extract_strided_slice %add3A_73 {offsets = [0, 1024], sizes = [32, 1024], strides = [1, 1]} : vector<32x3072xf32> to vector<32x1024xf32>
    %convert_element_type3A_91 = arith.extf %slice3A_89 : vector<32x1024xbf16> to vector<32x1024xf32>
    %add3A_92 = arith.addf %convert_element_type3A_91, %slice3A_90 : vector<32x1024xf32>
    %logistic3A_93 = arith.negf %add3A_92 : vector<32x1024xf32>
    %logistic3A_94 = math.exp %logistic3A_93 : vector<32x1024xf32>
    %logistic3A_95 = arith.constant 1.000000e+00 : f32
    %logistic3A_96 = vector.broadcast %logistic3A_95 : f32 to vector<32x1024xf32>
    %logistic3A_97 = arith.addf %logistic3A_96, %logistic3A_94 : vector<32x1024xf32>
    %logistic3A_98 = arith.divf %logistic3A_96, %logistic3A_97 : vector<32x1024xf32>
    %slice3A_99 = vector.extract_strided_slice %get3A_78 {offsets = [0, 2048], sizes = [32, 1024], strides = [1, 1]} : vector<32x3072xbf16> to vector<32x1024xbf16>
    %slice3A_100 = vector.extract_strided_slice %add3A_73 {offsets = [0, 2048], sizes = [32, 1024], strides = [1, 1]} : vector<32x3072xf32> to vector<32x1024xf32>
    %mul3A_101 = arith.mulf %logistic3A_88, %slice3A_100 : vector<32x1024xf32>
    %convert_element_type3A_102 = arith.extf %slice3A_99 : vector<32x1024xbf16> to vector<32x1024xf32>
    %add3A_103 = arith.addf %convert_element_type3A_102, %mul3A_101 : vector<32x1024xf32>
    %tanh3A_104 = math.tanh %add3A_103 : vector<32x1024xf32>
    %sub3A_105 = arith.constant 1.000000e+00 : f32
    %sub3A_106 = vector.broadcast %sub3A_105 : f32 to vector<32x1024xf32>
    %sub3A_107 = arith.subf %sub3A_106, %logistic3A_98 : vector<32x1024xf32>
    %mul3A_108 = arith.mulf %sub3A_107, %tanh3A_104 : vector<32x1024xf32>
    %mul3A_109 = arith.mulf %logistic3A_98, %add3A_62 : vector<32x1024xf32>
    %add3A_110 = arith.addf %mul3A_108, %mul3A_109 : vector<32x1024xf32>
    %convert_element_type3A_111 = arith.truncf %add3A_110 : vector<32x1024xf32> to vector<32x1024xbf16>
    %get3A_112 = arith.constant 0 : index
    %get3A_113 = arith.constant 0 : index
    %get3A_114 = vector.load %arg4[%get3A_112, %get3A_113] : memref<1024x3072xbf16, #tpu.memory_space<vmem>>, vector<1024x3072xbf16>
    %dot_general3A_115 = arith.constant dense<0.000000e+00> : vector<32x3072xf32>
    %dot_general3A_116 = tpu.matmul %convert_element_type3A_111, %get3A_114, %dot_general3A_115 {dimension_numbers = #tpu.dot_dimension_numbers<[1], [0], [0], [1], [0, 0, 1, 1], [], []>, transpose_lhs_hint = false} : vector<32x1024xbf16>, vector<1024x3072xbf16>, vector<32x3072xf32> -> vector<32x3072xf32>
    %get3A_117 = arith.constant 0 : index
    %get3A_118 = arith.constant 0 : index
    %get3A_119 = vector.load %arg7[%get3A_117, %get3A_118] : memref<1x3072xf32, #tpu.memory_space<vmem>>, vector<1x3072xf32>
    %add3A_120 = vector.broadcast %get3A_119 : vector<1x3072xf32> to vector<32x3072xf32>
    %add3A_121 = arith.addf %dot_general3A_116, %add3A_120 : vector<32x3072xf32>
    %get3A_122 = arith.constant 2 : index
    %get3A_123 = arith.constant 0 : index
    %get3A_124 = arith.constant 0 : index
    %get3A_125 = vector.load %arg3[%get3A_122, %get3A_123, %get3A_124] : memref<4x32x3072xbf16, #tpu.memory_space<vmem>>, vector<1x32x3072xbf16>
    %get3A_126 = vector.shape_cast %get3A_125 : vector<1x32x3072xbf16> to vector<32x3072xbf16>
    %slice3A_127 = vector.extract_strided_slice %get3A_126 {offsets = [0, 0], sizes = [32, 1024], strides = [1, 1]} : vector<32x3072xbf16> to vector<32x1024xbf16>
    %slice3A_128 = vector.extract_strided_slice %add3A_121 {offsets = [0, 0], sizes = [32, 1024], strides = [1, 1]} : vector<32x3072xf32> to vector<32x1024xf32>
    %convert_element_type3A_129 = arith.extf %slice3A_127 : vector<32x1024xbf16> to vector<32x1024xf32>
    %add3A_130 = arith.addf %convert_element_type3A_129, %slice3A_128 : vector<32x1024xf32>
    %logistic3A_131 = arith.negf %add3A_130 : vector<32x1024xf32>
    %logistic3A_132 = math.exp %logistic3A_131 : vector<32x1024xf32>
    %logistic3A_133 = arith.constant 1.000000e+00 : f32
    %logistic3A_134 = vector.broadcast %logistic3A_133 : f32 to vector<32x1024xf32>
    %logistic3A_135 = arith.addf %logistic3A_134, %logistic3A_132 : vector<32x1024xf32>
    %logistic3A_136 = arith.divf %logistic3A_134, %logistic3A_135 : vector<32x1024xf32>
    %slice3A_137 = vector.extract_strided_slice %get3A_126 {offsets = [0, 1024], sizes = [32, 1024], strides = [1, 1]} : vector<32x3072xbf16> to vector<32x1024xbf16>
    %slice3A_138 = vector.extract_strided_slice %add3A_121 {offsets = [0, 1024], sizes = [32, 1024], strides = [1, 1]} : vector<32x3072xf32> to vector<32x1024xf32>
    %convert_element_type3A_139 = arith.extf %slice3A_137 : vector<32x1024xbf16> to vector<32x1024xf32>
    %add3A_140 = arith.addf %convert_element_type3A_139, %slice3A_138 : vector<32x1024xf32>
    %logistic3A_141 = arith.negf %add3A_140 : vector<32x1024xf32>
    %logistic3A_142 = math.exp %logistic3A_141 : vector<32x1024xf32>
    %logistic3A_143 = arith.constant 1.000000e+00 : f32
    %logistic3A_144 = vector.broadcast %logistic3A_143 : f32 to vector<32x1024xf32>
    %logistic3A_145 = arith.addf %logistic3A_144, %logistic3A_142 : vector<32x1024xf32>
    %logistic3A_146 = arith.divf %logistic3A_144, %logistic3A_145 : vector<32x1024xf32>
    %slice3A_147 = vector.extract_strided_slice %get3A_126 {offsets = [0, 2048], sizes = [32, 1024], strides = [1, 1]} : vector<32x3072xbf16> to vector<32x1024xbf16>
    %slice3A_148 = vector.extract_strided_slice %add3A_121 {offsets = [0, 2048], sizes = [32, 1024], strides = [1, 1]} : vector<32x3072xf32> to vector<32x1024xf32>
    %mul3A_149 = arith.mulf %logistic3A_136, %slice3A_148 : vector<32x1024xf32>
    %convert_element_type3A_150 = arith.extf %slice3A_147 : vector<32x1024xbf16> to vector<32x1024xf32>
    %add3A_151 = arith.addf %convert_element_type3A_150, %mul3A_149 : vector<32x1024xf32>
    %tanh3A_152 = math.tanh %add3A_151 : vector<32x1024xf32>
    %sub3A_153 = arith.constant 1.000000e+00 : f32
    %sub3A_154 = vector.broadcast %sub3A_153 : f32 to vector<32x1024xf32>
    %sub3A_155 = arith.subf %sub3A_154, %logistic3A_146 : vector<32x1024xf32>
    %mul3A_156 = arith.mulf %sub3A_155, %tanh3A_152 : vector<32x1024xf32>
    %mul3A_157 = arith.mulf %logistic3A_146, %add3A_110 : vector<32x1024xf32>
    %add3A_158 = arith.addf %mul3A_156, %mul3A_157 : vector<32x1024xf32>
    %convert_element_type3A_159 = arith.truncf %add3A_158 : vector<32x1024xf32> to vector<32x1024xbf16>
    %get3A_160 = arith.constant 0 : index
    %get3A_161 = arith.constant 0 : index
    %get3A_162 = vector.load %arg4[%get3A_160, %get3A_161] : memref<1024x3072xbf16, #tpu.memory_space<vmem>>, vector<1024x3072xbf16>
    %dot_general3A_163 = arith.constant dense<0.000000e+00> : vector<32x3072xf32>
    %dot_general3A_164 = tpu.matmul %convert_element_type3A_159, %get3A_162, %dot_general3A_163 {dimension_numbers = #tpu.dot_dimension_numbers<[1], [0], [0], [1], [0, 0, 1, 1], [], []>, transpose_lhs_hint = false} : vector<32x1024xbf16>, vector<1024x3072xbf16>, vector<32x3072xf32> -> vector<32x3072xf32>
    %get3A_165 = arith.constant 0 : index
    %get3A_166 = arith.constant 0 : index
    %get3A_167 = vector.load %arg7[%get3A_165, %get3A_166] : memref<1x3072xf32, #tpu.memory_space<vmem>>, vector<1x3072xf32>
    %add3A_168 = vector.broadcast %get3A_167 : vector<1x3072xf32> to vector<32x3072xf32>
    %add3A_169 = arith.addf %dot_general3A_164, %add3A_168 : vector<32x3072xf32>
    %get3A_170 = arith.constant 3 : index
    %get3A_171 = arith.constant 0 : index
    %get3A_172 = arith.constant 0 : index
    %get3A_173 = vector.load %arg3[%get3A_170, %get3A_171, %get3A_172] : memref<4x32x3072xbf16, #tpu.memory_space<vmem>>, vector<1x32x3072xbf16>
    %get3A_174 = vector.shape_cast %get3A_173 : vector<1x32x3072xbf16> to vector<32x3072xbf16>
    %slice3A_175 = vector.extract_strided_slice %get3A_174 {offsets = [0, 0], sizes = [32, 1024], strides = [1, 1]} : vector<32x3072xbf16> to vector<32x1024xbf16>
    %slice3A_176 = vector.extract_strided_slice %add3A_169 {offsets = [0, 0], sizes = [32, 1024], strides = [1, 1]} : vector<32x3072xf32> to vector<32x1024xf32>
    %convert_element_type3A_177 = arith.extf %slice3A_175 : vector<32x1024xbf16> to vector<32x1024xf32>
    %add3A_178 = arith.addf %convert_element_type3A_177, %slice3A_176 : vector<32x1024xf32>
    %logistic3A_179 = arith.negf %add3A_178 : vector<32x1024xf32>
    %logistic3A_180 = math.exp %logistic3A_179 : vector<32x1024xf32>
    %logistic3A_181 = arith.constant 1.000000e+00 : f32
    %logistic3A_182 = vector.broadcast %logistic3A_181 : f32 to vector<32x1024xf32>
    %logistic3A_183 = arith.addf %logistic3A_182, %logistic3A_180 : vector<32x1024xf32>
    %logistic3A_184 = arith.divf %logistic3A_182, %logistic3A_183 : vector<32x1024xf32>
    %slice3A_185 = vector.extract_strided_slice %get3A_174 {offsets = [0, 1024], sizes = [32, 1024], strides = [1, 1]} : vector<32x3072xbf16> to vector<32x1024xbf16>
    %slice3A_186 = vector.extract_strided_slice %add3A_169 {offsets = [0, 1024], sizes = [32, 1024], strides = [1, 1]} : vector<32x3072xf32> to vector<32x1024xf32>
    %convert_element_type3A_187 = arith.extf %slice3A_185 : vector<32x1024xbf16> to vector<32x1024xf32>
    %add3A_188 = arith.addf %convert_element_type3A_187, %slice3A_186 : vector<32x1024xf32>
    %logistic3A_189 = arith.negf %add3A_188 : vector<32x1024xf32>
    %logistic3A_190 = math.exp %logistic3A_189 : vector<32x1024xf32>
    %logistic3A_191 = arith.constant 1.000000e+00 : f32
    %logistic3A_192 = vector.broadcast %logistic3A_191 : f32 to vector<32x1024xf32>
    %logistic3A_193 = arith.addf %logistic3A_192, %logistic3A_190 : vector<32x1024xf32>
    %logistic3A_194 = arith.divf %logistic3A_192, %logistic3A_193 : vector<32x1024xf32>
    %slice3A_195 = vector.extract_strided_slice %get3A_174 {offsets = [0, 2048], sizes = [32, 1024], strides = [1, 1]} : vector<32x3072xbf16> to vector<32x1024xbf16>
    %slice3A_196 = vector.extract_strided_slice %add3A_169 {offsets = [0, 2048], sizes = [32, 1024], strides = [1, 1]} : vector<32x3072xf32> to vector<32x1024xf32>
    %mul3A_197 = arith.mulf %logistic3A_184, %slice3A_196 : vector<32x1024xf32>
    %convert_element_type3A_198 = arith.extf %slice3A_195 : vector<32x1024xbf16> to vector<32x1024xf32>
    %add3A_199 = arith.addf %convert_element_type3A_198, %mul3A_197 : vector<32x1024xf32>
    %tanh3A_200 = math.tanh %add3A_199 : vector<32x1024xf32>
    %sub3A_201 = arith.constant 1.000000e+00 : f32
    %sub3A_202 = vector.broadcast %sub3A_201 : f32 to vector<32x1024xf32>
    %sub3A_203 = arith.subf %sub3A_202, %logistic3A_194 : vector<32x1024xf32>
    %mul3A_204 = arith.mulf %sub3A_203, %tanh3A_200 : vector<32x1024xf32>
    %mul3A_205 = arith.mulf %logistic3A_194, %add3A_158 : vector<32x1024xf32>
    %add3A_206 = arith.addf %mul3A_204, %mul3A_205 : vector<32x1024xf32>
    %convert_element_type3A_207 = arith.truncf %get3A_10 : vector<32x1024xf32> to vector<32x1024xbf16>
    %get3A_208 = arith.constant 0 : index
    %get3A_209 = arith.constant 0 : index
    %get3A_210 = vector.load %arg6[%get3A_208, %get3A_209] : memref<1024x3072xbf16, #tpu.memory_space<vmem>>, vector<1024x3072xbf16>
    %dot_general3A_211 = arith.constant dense<0.000000e+00> : vector<32x3072xf32>
    %dot_general3A_212 = tpu.matmul %convert_element_type3A_207, %get3A_210, %dot_general3A_211 {dimension_numbers = #tpu.dot_dimension_numbers<[1], [0], [0], [1], [0, 0, 1, 1], [], []>, transpose_lhs_hint = false} : vector<32x1024xbf16>, vector<1024x3072xbf16>, vector<32x3072xf32> -> vector<32x3072xf32>
    %get3A_213 = arith.constant 0 : index
    %get3A_214 = arith.constant 0 : index
    %get3A_215 = vector.load %arg9[%get3A_213, %get3A_214] : memref<1x3072xf32, #tpu.memory_space<vmem>>, vector<1x3072xf32>
    %add3A_216 = vector.broadcast %get3A_215 : vector<1x3072xf32> to vector<32x3072xf32>
    %add3A_217 = arith.addf %dot_general3A_212, %add3A_216 : vector<32x3072xf32>
    %slice3A_218 = vector.extract_strided_slice %add3A_19 {offsets = [0, 0], sizes = [32, 3072], strides = [1, 1]} : vector<128x3072xf32> to vector<32x3072xf32>
    %slice3A_219 = vector.extract_strided_slice %slice3A_218 {offsets = [0, 0], sizes = [32, 1024], strides = [1, 1]} : vector<32x3072xf32> to vector<32x1024xf32>
    %slice3A_220 = vector.extract_strided_slice %add3A_217 {offsets = [0, 0], sizes = [32, 1024], strides = [1, 1]} : vector<32x3072xf32> to vector<32x1024xf32>
    %add3A_221 = arith.addf %slice3A_219, %slice3A_220 : vector<32x1024xf32>
    %logistic3A_222 = arith.negf %add3A_221 : vector<32x1024xf32>
    %logistic3A_223 = math.exp %logistic3A_222 : vector<32x1024xf32>
    %logistic3A_224 = arith.constant 1.000000e+00 : f32
    %logistic3A_225 = vector.broadcast %logistic3A_224 : f32 to vector<32x1024xf32>
    %logistic3A_226 = arith.addf %logistic3A_225, %logistic3A_223 : vector<32x1024xf32>
    %logistic3A_227 = arith.divf %logistic3A_225, %logistic3A_226 : vector<32x1024xf32>
    %slice3A_228 = vector.extract_strided_slice %slice3A_218 {offsets = [0, 1024], sizes = [32, 1024], strides = [1, 1]} : vector<32x3072xf32> to vector<32x1024xf32>
    %slice3A_229 = vector.extract_strided_slice %add3A_217 {offsets = [0, 1024], sizes = [32, 1024], strides = [1, 1]} : vector<32x3072xf32> to vector<32x1024xf32>
    %add3A_230 = arith.addf %slice3A_228, %slice3A_229 : vector<32x1024xf32>
    %logistic3A_231 = arith.negf %add3A_230 : vector<32x1024xf32>
    %logistic3A_232 = math.exp %logistic3A_231 : vector<32x1024xf32>
    %logistic3A_233 = arith.constant 1.000000e+00 : f32
    %logistic3A_234 = vector.broadcast %logistic3A_233 : f32 to vector<32x1024xf32>
    %logistic3A_235 = arith.addf %logistic3A_234, %logistic3A_232 : vector<32x1024xf32>
    %logistic3A_236 = arith.divf %logistic3A_234, %logistic3A_235 : vector<32x1024xf32>
    %slice3A_237 = vector.extract_strided_slice %slice3A_218 {offsets = [0, 2048], sizes = [32, 1024], strides = [1, 1]} : vector<32x3072xf32> to vector<32x1024xf32>
    %slice3A_238 = vector.extract_strided_slice %add3A_217 {offsets = [0, 2048], sizes = [32, 1024], strides = [1, 1]} : vector<32x3072xf32> to vector<32x1024xf32>
    %mul3A_239 = arith.mulf %logistic3A_227, %slice3A_238 : vector<32x1024xf32>
    %add3A_240 = arith.addf %slice3A_237, %mul3A_239 : vector<32x1024xf32>
    %tanh3A_241 = math.tanh %add3A_240 : vector<32x1024xf32>
    %sub3A_242 = arith.constant 1.000000e+00 : f32
    %sub3A_243 = vector.broadcast %sub3A_242 : f32 to vector<32x1024xf32>
    %sub3A_244 = arith.subf %sub3A_243, %logistic3A_236 : vector<32x1024xf32>
    %mul3A_245 = arith.mulf %sub3A_244, %tanh3A_241 : vector<32x1024xf32>
    %mul3A_246 = arith.mulf %logistic3A_236, %get3A_10 : vector<32x1024xf32>
    %add3A_247 = arith.addf %mul3A_245, %mul3A_246 : vector<32x1024xf32>
    %convert_element_type3A_248 = arith.truncf %add3A_247 : vector<32x1024xf32> to vector<32x1024xbf16>
    %get3A_249 = arith.constant 0 : index
    %get3A_250 = arith.constant 0 : index
    %get3A_251 = vector.load %arg6[%get3A_249, %get3A_250] : memref<1024x3072xbf16, #tpu.memory_space<vmem>>, vector<1024x3072xbf16>
    %dot_general3A_252 = arith.constant dense<0.000000e+00> : vector<32x3072xf32>
    %dot_general3A_253 = tpu.matmul %convert_element_type3A_248, %get3A_251, %dot_general3A_252 {dimension_numbers = #tpu.dot_dimension_numbers<[1], [0], [0], [1], [0, 0, 1, 1], [], []>, transpose_lhs_hint = false} : vector<32x1024xbf16>, vector<1024x3072xbf16>, vector<32x3072xf32> -> vector<32x3072xf32>
    %get3A_254 = arith.constant 0 : index
    %get3A_255 = arith.constant 0 : index
    %get3A_256 = vector.load %arg9[%get3A_254, %get3A_255] : memref<1x3072xf32, #tpu.memory_space<vmem>>, vector<1x3072xf32>
    %add3A_257 = vector.broadcast %get3A_256 : vector<1x3072xf32> to vector<32x3072xf32>
    %add3A_258 = arith.addf %dot_general3A_253, %add3A_257 : vector<32x3072xf32>
    %slice3A_259 = vector.extract_strided_slice %add3A_19 {offsets = [32, 0], sizes = [32, 3072], strides = [1, 1]} : vector<128x3072xf32> to vector<32x3072xf32>
    %slice3A_260 = vector.extract_strided_slice %slice3A_259 {offsets = [0, 0], sizes = [32, 1024], strides = [1, 1]} : vector<32x3072xf32> to vector<32x1024xf32>
    %slice3A_261 = vector.extract_strided_slice %add3A_258 {offsets = [0, 0], sizes = [32, 1024], strides = [1, 1]} : vector<32x3072xf32> to vector<32x1024xf32>
    %add3A_262 = arith.addf %slice3A_260, %slice3A_261 : vector<32x1024xf32>
    %logistic3A_263 = arith.negf %add3A_262 : vector<32x1024xf32>
    %logistic3A_264 = math.exp %logistic3A_263 : vector<32x1024xf32>
    %logistic3A_265 = arith.constant 1.000000e+00 : f32
    %logistic3A_266 = vector.broadcast %logistic3A_265 : f32 to vector<32x1024xf32>
    %logistic3A_267 = arith.addf %logistic3A_266, %logistic3A_264 : vector<32x1024xf32>
    %logistic3A_268 = arith.divf %logistic3A_266, %logistic3A_267 : vector<32x1024xf32>
    %slice3A_269 = vector.extract_strided_slice %slice3A_259 {offsets = [0, 1024], sizes = [32, 1024], strides = [1, 1]} : vector<32x3072xf32> to vector<32x1024xf32>
    %slice3A_270 = vector.extract_strided_slice %add3A_258 {offsets = [0, 1024], sizes = [32, 1024], strides = [1, 1]} : vector<32x3072xf32> to vector<32x1024xf32>
    %add3A_271 = arith.addf %slice3A_269, %slice3A_270 : vector<32x1024xf32>
    %logistic3A_272 = arith.negf %add3A_271 : vector<32x1024xf32>
    %logistic3A_273 = math.exp %logistic3A_272 : vector<32x1024xf32>
    %logistic3A_274 = arith.constant 1.000000e+00 : f32
    %logistic3A_275 = vector.broadcast %logistic3A_274 : f32 to vector<32x1024xf32>
    %logistic3A_276 = arith.addf %logistic3A_275, %logistic3A_273 : vector<32x1024xf32>
    %logistic3A_277 = arith.divf %logistic3A_275, %logistic3A_276 : vector<32x1024xf32>
    %slice3A_278 = vector.extract_strided_slice %slice3A_259 {offsets = [0, 2048], sizes = [32, 1024], strides = [1, 1]} : vector<32x3072xf32> to vector<32x1024xf32>
    %slice3A_279 = vector.extract_strided_slice %add3A_258 {offsets = [0, 2048], sizes = [32, 1024], strides = [1, 1]} : vector<32x3072xf32> to vector<32x1024xf32>
    %mul3A_280 = arith.mulf %logistic3A_268, %slice3A_279 : vector<32x1024xf32>
    %add3A_281 = arith.addf %slice3A_278, %mul3A_280 : vector<32x1024xf32>
    %tanh3A_282 = math.tanh %add3A_281 : vector<32x1024xf32>
    %sub3A_283 = arith.constant 1.000000e+00 : f32
    %sub3A_284 = vector.broadcast %sub3A_283 : f32 to vector<32x1024xf32>
    %sub3A_285 = arith.subf %sub3A_284, %logistic3A_277 : vector<32x1024xf32>
    %mul3A_286 = arith.mulf %sub3A_285, %tanh3A_282 : vector<32x1024xf32>
    %mul3A_287 = arith.mulf %logistic3A_277, %add3A_247 : vector<32x1024xf32>
    %add3A_288 = arith.addf %mul3A_286, %mul3A_287 : vector<32x1024xf32>
    %convert_element_type3A_289 = arith.truncf %add3A_288 : vector<32x1024xf32> to vector<32x1024xbf16>
    %get3A_290 = arith.constant 0 : index
    %get3A_291 = arith.constant 0 : index
    %get3A_292 = vector.load %arg6[%get3A_290, %get3A_291] : memref<1024x3072xbf16, #tpu.memory_space<vmem>>, vector<1024x3072xbf16>
    %dot_general3A_293 = arith.constant dense<0.000000e+00> : vector<32x3072xf32>
    %dot_general3A_294 = tpu.matmul %convert_element_type3A_289, %get3A_292, %dot_general3A_293 {dimension_numbers = #tpu.dot_dimension_numbers<[1], [0], [0], [1], [0, 0, 1, 1], [], []>, transpose_lhs_hint = false} : vector<32x1024xbf16>, vector<1024x3072xbf16>, vector<32x3072xf32> -> vector<32x3072xf32>
    %get3A_295 = arith.constant 0 : index
    %get3A_296 = arith.constant 0 : index
    %get3A_297 = vector.load %arg9[%get3A_295, %get3A_296] : memref<1x3072xf32, #tpu.memory_space<vmem>>, vector<1x3072xf32>
    %add3A_298 = vector.broadcast %get3A_297 : vector<1x3072xf32> to vector<32x3072xf32>
    %add3A_299 = arith.addf %dot_general3A_294, %add3A_298 : vector<32x3072xf32>
    %slice3A_300 = vector.extract_strided_slice %add3A_19 {offsets = [64, 0], sizes = [32, 3072], strides = [1, 1]} : vector<128x3072xf32> to vector<32x3072xf32>
    %slice3A_301 = vector.extract_strided_slice %slice3A_300 {offsets = [0, 0], sizes = [32, 1024], strides = [1, 1]} : vector<32x3072xf32> to vector<32x1024xf32>
    %slice3A_302 = vector.extract_strided_slice %add3A_299 {offsets = [0, 0], sizes = [32, 1024], strides = [1, 1]} : vector<32x3072xf32> to vector<32x1024xf32>
    %add3A_303 = arith.addf %slice3A_301, %slice3A_302 : vector<32x1024xf32>
    %logistic3A_304 = arith.negf %add3A_303 : vector<32x1024xf32>
    %logistic3A_305 = math.exp %logistic3A_304 : vector<32x1024xf32>
    %logistic3A_306 = arith.constant 1.000000e+00 : f32
    %logistic3A_307 = vector.broadcast %logistic3A_306 : f32 to vector<32x1024xf32>
    %logistic3A_308 = arith.addf %logistic3A_307, %logistic3A_305 : vector<32x1024xf32>
    %logistic3A_309 = arith.divf %logistic3A_307, %logistic3A_308 : vector<32x1024xf32>
    %slice3A_310 = vector.extract_strided_slice %slice3A_300 {offsets = [0, 1024], sizes = [32, 1024], strides = [1, 1]} : vector<32x3072xf32> to vector<32x1024xf32>
    %slice3A_311 = vector.extract_strided_slice %add3A_299 {offsets = [0, 1024], sizes = [32, 1024], strides = [1, 1]} : vector<32x3072xf32> to vector<32x1024xf32>
    %add3A_312 = arith.addf %slice3A_310, %slice3A_311 : vector<32x1024xf32>
    %logistic3A_313 = arith.negf %add3A_312 : vector<32x1024xf32>
    %logistic3A_314 = math.exp %logistic3A_313 : vector<32x1024xf32>
    %logistic3A_315 = arith.constant 1.000000e+00 : f32
    %logistic3A_316 = vector.broadcast %logistic3A_315 : f32 to vector<32x1024xf32>
    %logistic3A_317 = arith.addf %logistic3A_316, %logistic3A_314 : vector<32x1024xf32>
    %logistic3A_318 = arith.divf %logistic3A_316, %logistic3A_317 : vector<32x1024xf32>
    %slice3A_319 = vector.extract_strided_slice %slice3A_300 {offsets = [0, 2048], sizes = [32, 1024], strides = [1, 1]} : vector<32x3072xf32> to vector<32x1024xf32>
    %slice3A_320 = vector.extract_strided_slice %add3A_299 {offsets = [0, 2048], sizes = [32, 1024], strides = [1, 1]} : vector<32x3072xf32> to vector<32x1024xf32>
    %mul3A_321 = arith.mulf %logistic3A_309, %slice3A_320 : vector<32x1024xf32>
    %add3A_322 = arith.addf %slice3A_319, %mul3A_321 : vector<32x1024xf32>
    %tanh3A_323 = math.tanh %add3A_322 : vector<32x1024xf32>
    %sub3A_324 = arith.constant 1.000000e+00 : f32
    %sub3A_325 = vector.broadcast %sub3A_324 : f32 to vector<32x1024xf32>
    %sub3A_326 = arith.subf %sub3A_325, %logistic3A_318 : vector<32x1024xf32>
    %mul3A_327 = arith.mulf %sub3A_326, %tanh3A_323 : vector<32x1024xf32>
    %mul3A_328 = arith.mulf %logistic3A_318, %add3A_288 : vector<32x1024xf32>
    %add3A_329 = arith.addf %mul3A_327, %mul3A_328 : vector<32x1024xf32>
    %convert_element_type3A_330 = arith.truncf %add3A_329 : vector<32x1024xf32> to vector<32x1024xbf16>
    %get3A_331 = arith.constant 0 : index
    %get3A_332 = arith.constant 0 : index
    %get3A_333 = vector.load %arg6[%get3A_331, %get3A_332] : memref<1024x3072xbf16, #tpu.memory_space<vmem>>, vector<1024x3072xbf16>
    %dot_general3A_334 = arith.constant dense<0.000000e+00> : vector<32x3072xf32>
    %dot_general3A_335 = tpu.matmul %convert_element_type3A_330, %get3A_333, %dot_general3A_334 {dimension_numbers = #tpu.dot_dimension_numbers<[1], [0], [0], [1], [0, 0, 1, 1], [], []>, transpose_lhs_hint = false} : vector<32x1024xbf16>, vector<1024x3072xbf16>, vector<32x3072xf32> -> vector<32x3072xf32>
    %get3A_336 = arith.constant 0 : index
    %get3A_337 = arith.constant 0 : index
    %get3A_338 = vector.load %arg9[%get3A_336, %get3A_337] : memref<1x3072xf32, #tpu.memory_space<vmem>>, vector<1x3072xf32>
    %add3A_339 = vector.broadcast %get3A_338 : vector<1x3072xf32> to vector<32x3072xf32>
    %add3A_340 = arith.addf %dot_general3A_335, %add3A_339 : vector<32x3072xf32>
    %slice3A_341 = vector.extract_strided_slice %add3A_19 {offsets = [96, 0], sizes = [32, 3072], strides = [1, 1]} : vector<128x3072xf32> to vector<32x3072xf32>
    %slice3A_342 = vector.extract_strided_slice %slice3A_341 {offsets = [0, 0], sizes = [32, 1024], strides = [1, 1]} : vector<32x3072xf32> to vector<32x1024xf32>
    %slice3A_343 = vector.extract_strided_slice %add3A_340 {offsets = [0, 0], sizes = [32, 1024], strides = [1, 1]} : vector<32x3072xf32> to vector<32x1024xf32>
    %add3A_344 = arith.addf %slice3A_342, %slice3A_343 : vector<32x1024xf32>
    %logistic3A_345 = arith.negf %add3A_344 : vector<32x1024xf32>
    %logistic3A_346 = math.exp %logistic3A_345 : vector<32x1024xf32>
    %logistic3A_347 = arith.constant 1.000000e+00 : f32
    %logistic3A_348 = vector.broadcast %logistic3A_347 : f32 to vector<32x1024xf32>
    %logistic3A_349 = arith.addf %logistic3A_348, %logistic3A_346 : vector<32x1024xf32>
    %logistic3A_350 = arith.divf %logistic3A_348, %logistic3A_349 : vector<32x1024xf32>
    %slice3A_351 = vector.extract_strided_slice %slice3A_341 {offsets = [0, 1024], sizes = [32, 1024], strides = [1, 1]} : vector<32x3072xf32> to vector<32x1024xf32>
    %slice3A_352 = vector.extract_strided_slice %add3A_340 {offsets = [0, 1024], sizes = [32, 1024], strides = [1, 1]} : vector<32x3072xf32> to vector<32x1024xf32>
    %add3A_353 = arith.addf %slice3A_351, %slice3A_352 : vector<32x1024xf32>
    %logistic3A_354 = arith.negf %add3A_353 : vector<32x1024xf32>
    %logistic3A_355 = math.exp %logistic3A_354 : vector<32x1024xf32>
    %logistic3A_356 = arith.constant 1.000000e+00 : f32
    %logistic3A_357 = vector.broadcast %logistic3A_356 : f32 to vector<32x1024xf32>
    %logistic3A_358 = arith.addf %logistic3A_357, %logistic3A_355 : vector<32x1024xf32>
    %logistic3A_359 = arith.divf %logistic3A_357, %logistic3A_358 : vector<32x1024xf32>
    %slice3A_360 = vector.extract_strided_slice %slice3A_341 {offsets = [0, 2048], sizes = [32, 1024], strides = [1, 1]} : vector<32x3072xf32> to vector<32x1024xf32>
    %slice3A_361 = vector.extract_strided_slice %add3A_340 {offsets = [0, 2048], sizes = [32, 1024], strides = [1, 1]} : vector<32x3072xf32> to vector<32x1024xf32>
    %mul3A_362 = arith.mulf %logistic3A_350, %slice3A_361 : vector<32x1024xf32>
    %add3A_363 = arith.addf %slice3A_360, %mul3A_362 : vector<32x1024xf32>
    %tanh3A_364 = math.tanh %add3A_363 : vector<32x1024xf32>
    %sub3A_365 = arith.constant 1.000000e+00 : f32
    %sub3A_366 = vector.broadcast %sub3A_365 : f32 to vector<32x1024xf32>
    %sub3A_367 = arith.subf %sub3A_366, %logistic3A_359 : vector<32x1024xf32>
    %mul3A_368 = arith.mulf %sub3A_367, %tanh3A_364 : vector<32x1024xf32>
    %mul3A_369 = arith.mulf %logistic3A_359, %add3A_329 : vector<32x1024xf32>
    %add3A_370 = arith.addf %mul3A_368, %mul3A_369 : vector<32x1024xf32>
    %lt3A = arith.constant 16 : i32
    %lt3A_371 = arith.cmpi slt, %arg0, %lt3A : i32
    %convert_element_type3A_372 = arith.extui %lt3A_371 : i1 to i32
    %cond3A_373 = arith.constant 0 : i32
    %cond3A_374 = arith.cmpi ne, %convert_element_type3A_372, %cond3A_373 : i32
    scf.if %cond3A_374 {
      %swap3A = arith.constant 0 : index
      %swap3A_379 = arith.constant 0 : index
      %swap3A_380 = vector.load %arg13[%swap3A, %swap3A_379] : memref<32x1024xf32, #tpu.memory_space<vmem>>, vector<32x1024xf32>
      tpu.vector_store %arg13[%swap3A, %swap3A_379], %add3A_206 {strides = array<i32>} : memref<32x1024xf32, #tpu.memory_space<vmem>>, vector<32x1024xf32>,
      %swap3A_381 = arith.constant 0 : index
      %swap3A_382 = arith.constant 0 : index
      %swap3A_383 = arith.constant 0 : index
      %swap3A_384 = vector.load %arg12[%swap3A_381, %swap3A_382, %swap3A_383] : memref<4x32x1024xf32, #tpu.memory_space<vmem>>, vector<1x32x1024xf32>
      %swap3A_385 = vector.shape_cast %swap3A_384 : vector<1x32x1024xf32> to vector<32x1024xf32>
      %swap3A_386 = vector.shape_cast %add3A_62 : vector<32x1024xf32> to vector<1x32x1024xf32>
      tpu.vector_store %arg12[%swap3A_381, %swap3A_382, %swap3A_383], %swap3A_386 {strides = array<i32>} : memref<4x32x1024xf32, #tpu.memory_space<vmem>>, vector<1x32x1024xf32>,
      %swap3A_387 = arith.constant 1 : index
      %swap3A_388 = arith.constant 0 : index
      %swap3A_389 = arith.constant 0 : index
      %swap3A_390 = vector.load %arg12[%swap3A_387, %swap3A_388, %swap3A_389] : memref<4x32x1024xf32, #tpu.memory_space<vmem>>, vector<1x32x1024xf32>
      %swap3A_391 = vector.shape_cast %swap3A_390 : vector<1x32x1024xf32> to vector<32x1024xf32>
      %swap3A_392 = vector.shape_cast %add3A_110 : vector<32x1024xf32> to vector<1x32x1024xf32>
      tpu.vector_store %arg12[%swap3A_387, %swap3A_388, %swap3A_389], %swap3A_392 {strides = array<i32>} : memref<4x32x1024xf32, #tpu.memory_space<vmem>>, vector<1x32x1024xf32>,
      %swap3A_393 = arith.constant 2 : index
      %swap3A_394 = arith.constant 0 : index
      %swap3A_395 = arith.constant 0 : index
      %swap3A_396 = vector.load %arg12[%swap3A_393, %swap3A_394, %swap3A_395] : memref<4x32x1024xf32, #tpu.memory_space<vmem>>, vector<1x32x1024xf32>
      %swap3A_397 = vector.shape_cast %swap3A_396 : vector<1x32x1024xf32> to vector<32x1024xf32>
      %swap3A_398 = vector.shape_cast %add3A_158 : vector<32x1024xf32> to vector<1x32x1024xf32>
      tpu.vector_store %arg12[%swap3A_393, %swap3A_394, %swap3A_395], %swap3A_398 {strides = array<i32>} : memref<4x32x1024xf32, #tpu.memory_space<vmem>>, vector<1x32x1024xf32>,
      %swap3A_399 = arith.constant 3 : index
      %swap3A_400 = arith.constant 0 : index
      %swap3A_401 = arith.constant 0 : index
      %swap3A_402 = vector.load %arg12[%swap3A_399, %swap3A_400, %swap3A_401] : memref<4x32x1024xf32, #tpu.memory_space<vmem>>, vector<1x32x1024xf32>
      %swap3A_403 = vector.shape_cast %swap3A_402 : vector<1x32x1024xf32> to vector<32x1024xf32>
      %swap3A_404 = vector.shape_cast %add3A_206 : vector<32x1024xf32> to vector<1x32x1024xf32>
      tpu.vector_store %arg12[%swap3A_399, %swap3A_400, %swap3A_401], %swap3A_404 {strides = array<i32>} : memref<4x32x1024xf32, #tpu.memory_space<vmem>>, vector<1x32x1024xf32>,
      %swap3A_405 = arith.constant 0 : index
      %swap3A_406 = arith.constant 0 : index
      %swap3A_407 = vector.load %arg11[%swap3A_405, %swap3A_406] : memref<32x1024xf32, #tpu.memory_space<vmem>>, vector<32x1024xf32>
      tpu.vector_store %arg11[%swap3A_405, %swap3A_406], %add3A_206 {strides = array<i32>} : memref<32x1024xf32, #tpu.memory_space<vmem>>, vector<32x1024xf32>,
    } else {
    }
    %gt3A = arith.constant 0 : i32
    %gt3A_375 = arith.cmpi sgt, %arg0, %gt3A : i32
    %convert_element_type3A_376 = arith.extui %gt3A_375 : i1 to i32
    %cond3A_377 = arith.constant 0 : i32
    %cond3A_378 = arith.cmpi ne, %convert_element_type3A_376, %cond3A_377 : i32
    scf.if %cond3A_378 {
      %swap3A = arith.constant 0 : index
      %swap3A_379 = arith.constant 0 : index
      %swap3A_380 = vector.load %arg14[%swap3A, %swap3A_379] : memref<32x1024xf32, #tpu.memory_space<vmem>>, vector<32x1024xf32>
      tpu.vector_store %arg14[%swap3A, %swap3A_379], %add3A_370 {strides = array<i32>} : memref<32x1024xf32, #tpu.memory_space<vmem>>, vector<32x1024xf32>,
      %convert_element_type3A_381 = arith.truncf %add3A_247 : vector<32x1024xf32> to vector<32x1024xbf16>
      %swap3A_382 = arith.constant 0 : index
      %swap3A_383 = arith.constant 0 : index
      %swap3A_384 = arith.constant 0 : index
      %swap3A_385 = vector.load %arg10[%swap3A_382, %swap3A_383, %swap3A_384] : memref<4x32x1024xbf16, #tpu.memory_space<vmem>>, vector<1x32x1024xbf16>
      %swap3A_386 = vector.shape_cast %swap3A_385 : vector<1x32x1024xbf16> to vector<32x1024xbf16>
      %swap3A_387 = vector.shape_cast %convert_element_type3A_381 : vector<32x1024xbf16> to vector<1x32x1024xbf16>
      tpu.vector_store %arg10[%swap3A_382, %swap3A_383, %swap3A_384], %swap3A_387 {strides = array<i32>} : memref<4x32x1024xbf16, #tpu.memory_space<vmem>>, vector<1x32x1024xbf16>,
      %convert_element_type3A_388 = arith.truncf %add3A_288 : vector<32x1024xf32> to vector<32x1024xbf16>
      %swap3A_389 = arith.constant 1 : index
      %swap3A_390 = arith.constant 0 : index
      %swap3A_391 = arith.constant 0 : index
      %swap3A_392 = vector.load %arg10[%swap3A_389, %swap3A_390, %swap3A_391] : memref<4x32x1024xbf16, #tpu.memory_space<vmem>>, vector<1x32x1024xbf16>
      %swap3A_393 = vector.shape_cast %swap3A_392 : vector<1x32x1024xbf16> to vector<32x1024xbf16>
      %swap3A_394 = vector.shape_cast %convert_element_type3A_388 : vector<32x1024xbf16> to vector<1x32x1024xbf16>
      tpu.vector_store %arg10[%swap3A_389, %swap3A_390, %swap3A_391], %swap3A_394 {strides = array<i32>} : memref<4x32x1024xbf16, #tpu.memory_space<vmem>>, vector<1x32x1024xbf16>,
      %convert_element_type3A_395 = arith.truncf %add3A_329 : vector<32x1024xf32> to vector<32x1024xbf16>
      %swap3A_396 = arith.constant 2 : index
      %swap3A_397 = arith.constant 0 : index
      %swap3A_398 = arith.constant 0 : index
      %swap3A_399 = vector.load %arg10[%swap3A_396, %swap3A_397, %swap3A_398] : memref<4x32x1024xbf16, #tpu.memory_space<vmem>>, vector<1x32x1024xbf16>
      %swap3A_400 = vector.shape_cast %swap3A_399 : vector<1x32x1024xbf16> to vector<32x1024xbf16>
      %swap3A_401 = vector.shape_cast %convert_element_type3A_395 : vector<32x1024xbf16> to vector<1x32x1024xbf16>
      tpu.vector_store %arg10[%swap3A_396, %swap3A_397, %swap3A_398], %swap3A_401 {strides = array<i32>} : memref<4x32x1024xbf16, #tpu.memory_space<vmem>>, vector<1x32x1024xbf16>,
      %convert_element_type3A_402 = arith.truncf %add3A_370 : vector<32x1024xf32> to vector<32x1024xbf16>
      %swap3A_403 = arith.constant 3 : index
      %swap3A_404 = arith.constant 0 : index
      %swap3A_405 = arith.constant 0 : index
      %swap3A_406 = vector.load %arg10[%swap3A_403, %swap3A_404, %swap3A_405] : memref<4x32x1024xbf16, #tpu.memory_space<vmem>>, vector<1x32x1024xbf16>
      %swap3A_407 = vector.shape_cast %swap3A_406 : vector<1x32x1024xbf16> to vector<32x1024xbf16>
      %swap3A_408 = vector.shape_cast %convert_element_type3A_402 : vector<32x1024xbf16> to vector<1x32x1024xbf16>
      tpu.vector_store %arg10[%swap3A_403, %swap3A_404, %swap3A_405], %swap3A_408 {strides = array<i32>} : memref<4x32x1024xbf16, #tpu.memory_space<vmem>>, vector<1x32x1024xbf16>,
    } else {
    }
    return
  }
  func.func @transform_0(%arg0: i32) -> (i32, i32) {
    %c0_i32 = arith.constant 0 : i32
    %c0_i32_0 = arith.constant 0 : i32
    %c0_i32_1 = arith.constant 0 : i32
    return %c0_i32, %c0_i32_0 : i32, i32
  }
  func.func @transform_1(%arg0: i32) -> (i32, i32) {
    %c0_i32 = arith.constant 0 : i32
    %c0_i32_0 = arith.constant 0 : i32
    %c0_i32_1 = arith.constant 0 : i32
    return %c0_i32, %c0_i32_0 : i32, i32
  }
  func.func @transform_2(%arg0: i32) -> (i32, i32, i32) {
    %min3A = arith.constant 15 : i32
    %min3A_0 = arith.minsi %arg0, %min3A : i32
    %c0_i32 = arith.constant 0 : i32
    %c0_i32_1 = arith.constant 0 : i32
    %c0_i32_2 = arith.constant 0 : i32
    return %min3A_0, %c0_i32, %c0_i32_1 : i32, i32, i32
  }
  func.func @transform_3(%arg0: i32) -> (i32, i32) {
    %c0_i32 = arith.constant 0 : i32
    %c0_i32_0 = arith.constant 0 : i32
    %c0_i32_1 = arith.constant 0 : i32
    return %c0_i32, %c0_i32_0 : i32, i32
  }
  func.func @transform_4(%arg0: i32) -> (i32, i32) {
    %c0_i32 = arith.constant 0 : i32
    %c0_i32_0 = arith.constant 0 : i32
    %c0_i32_1 = arith.constant 0 : i32
    return %c0_i32, %c0_i32_0 : i32, i32
  }
  func.func @transform_5(%arg0: i32) -> (i32, i32) {
    %c0_i32 = arith.constant 0 : i32
    %c0_i32_0 = arith.constant 0 : i32
    %c0_i32_1 = arith.constant 0 : i32
    return %c0_i32, %c0_i32_0 : i32, i32
  }
  func.func @transform_6(%arg0: i32) -> (i32, i32) {
    %c0_i32 = arith.constant 0 : i32
    %c0_i32_0 = arith.constant 0 : i32
    %c0_i32_1 = arith.constant 0 : i32
    return %c0_i32, %c0_i32_0 : i32, i32
  }
  func.func @transform_7(%arg0: i32) -> (i32, i32) {
    %c0_i32 = arith.constant 0 : i32
    %c0_i32_0 = arith.constant 0 : i32
    %c0_i32_1 = arith.constant 0 : i32
    return %c0_i32, %c0_i32_0 : i32, i32
  }
  func.func @transform_8(%arg0: i32) -> (i32, i32) {
    %c0_i32 = arith.constant 0 : i32
    %c0_i32_0 = arith.constant 0 : i32
    %c0_i32_1 = arith.constant 0 : i32
    return %c0_i32, %c0_i32_0 : i32, i32
  }
  func.func @transform_9(%arg0: i32) -> (i32, i32, i32) {
    %sub3A = arith.constant 1 : i32
    %sub3A_0 = arith.subi %arg0, %sub3A : i32
    %max3A = arith.constant 0 : i32
    %max3A_1 = arith.maxsi %sub3A_0, %max3A : i32
    %c0_i32 = arith.constant 0 : i32
    %c0_i32_2 = arith.constant 0 : i32
    %c0_i32_3 = arith.constant 0 : i32
    return %max3A_1, %c0_i32, %c0_i32_2 : i32, i32, i32
  }
  func.func @transform_10(%arg0: i32) -> (i32, i32) {
    %c0_i32 = arith.constant 0 : i32
    %c0_i32_0 = arith.constant 0 : i32
    %c0_i32_1 = arith.constant 0 : i32
    return %c0_i32, %c0_i32_0 : i32, i32
  }
}

module attributes {stable_mosaic.version = 14 : i64} {
  func.func @_proj_body(%arg0: i32, %arg1: i32, %arg2: memref<256x1024xbf16, #tpu.memory_space<vmem>>, %arg3: memref<2048x1024xf32, #tpu.memory_space<vmem>>, %arg4: memref<1x2048xf32, #tpu.memory_space<vmem>>, %arg5: memref<256x2048xf32, #tpu.memory_space<vmem>>) attributes {dimension_semantics = [#tpu.dimension_semantics<arbitrary>, #tpu.dimension_semantics<arbitrary>], iteration_bounds = array<i64: 5, 8>, scalar_prefetch = 0 : i64, scratch_operands = 0 : i64, tpu.core_type = #tpu.core_type<tc>, window_params = [{transform_indices = @transform_0, window_bounds = array<i64: 256, 1024>}, {transform_indices = @transform_1, window_bounds = array<i64: 2048, 1024>}, {transform_indices = @transform_2, window_bounds = array<i64: 1, 2048>}, {transform_indices = @transform_3, window_bounds = array<i64: 256, 2048>}]} {
    %get3A = arith.constant 0 : index
    %get3A_0 = arith.constant 0 : index
    %get3A_1 = vector.load %arg2[%get3A, %get3A_0] : memref<256x1024xbf16, #tpu.memory_space<vmem>>, vector<256x1024xbf16>
    %convert_element_type3A = arith.extf %get3A_1 : vector<256x1024xbf16> to vector<256x1024xf32>
    %get3A_2 = arith.constant 0 : index
    %get3A_3 = arith.constant 0 : index
    %get3A_4 = vector.load %arg3[%get3A_2, %get3A_3] : memref<2048x1024xf32, #tpu.memory_space<vmem>>, vector<2048x1024xf32>
    %dot_general3A = arith.constant dense<0.000000e+00> : vector<256x2048xf32>
    %dot_general3A_5 = tpu.matmul %convert_element_type3A, %get3A_4, %dot_general3A {dimension_numbers = #tpu.dot_dimension_numbers<[1], [1], [0], [0], [0, 0, 1, 0], [], []>, transpose_lhs_hint = false} : vector<256x1024xf32>, vector<2048x1024xf32>, vector<256x2048xf32> -> vector<256x2048xf32>
    %get3A_6 = arith.constant 0 : index
    %get3A_7 = arith.constant 0 : index
    %get3A_8 = vector.load %arg4[%get3A_6, %get3A_7] : memref<1x2048xf32, #tpu.memory_space<vmem>>, vector<1x2048xf32>
    %add3A = vector.broadcast %get3A_8 : vector<1x2048xf32> to vector<256x2048xf32>
    %add3A_9 = arith.addf %dot_general3A_5, %add3A : vector<256x2048xf32>
    %swap3A = arith.constant 0 : index
    %swap3A_10 = arith.constant 0 : index
    %swap3A_11 = vector.load %arg5[%swap3A, %swap3A_10] : memref<256x2048xf32, #tpu.memory_space<vmem>>, vector<256x2048xf32>
    tpu.vector_store %arg5[%swap3A, %swap3A_10], %add3A_9 {strides = array<i32>} : memref<256x2048xf32, #tpu.memory_space<vmem>>, vector<256x2048xf32>,
    return
  }
  func.func @transform_0(%arg0: i32, %arg1: i32) -> (i32, i32) {
    %c0_i32 = arith.constant 0 : i32
    %c0_i32_0 = arith.constant 0 : i32
    return %arg1, %c0_i32 : i32, i32
  }
  func.func @transform_1(%arg0: i32, %arg1: i32) -> (i32, i32) {
    %c0_i32 = arith.constant 0 : i32
    %c0_i32_0 = arith.constant 0 : i32
    return %arg0, %c0_i32 : i32, i32
  }
  func.func @transform_2(%arg0: i32, %arg1: i32) -> (i32, i32) {
    %c0_i32 = arith.constant 0 : i32
    %c0_i32_0 = arith.constant 0 : i32
    return %c0_i32, %arg0 : i32, i32
  }
  func.func @transform_3(%arg0: i32, %arg1: i32) -> (i32, i32) {
    %c0_i32 = arith.constant 0 : i32
    return %arg1, %arg0 : i32, i32
  }
}

</mosaic_0001>

<sc_bundles>
// kernel: kernel.6.cloned.1.call-start
scs
__scs_entry_jumppad:
0x0: {  	(pc) =	sbr.rel $0x88, $3  }
0x1: {  	(tag) =	ssettag $0x0;
	lr =	simm.s32 $0x1  }
0x2: {  	[smem:$0x3F93] =	sst lr;
	_ =	strace $0xD0000000  }
0x3: {  	_ = 	snop  }
0x4: {  	_ = 	snop  }
0x5: {  	_ = 	snop  }
0x6: {  	_ = 	snop  }
0x7: {  	_ = 	snop  }
__scs_overlays_trampoline_lowered:
0x8: {  	[smem:$0x3FA2] =	sst s0  }
0x9: {  	[smem:$0x3FA3] =	sst s1  }
0xa: {  	[smem:$0x3FA4] =	sst s2  }
0xb: {  	[smem:$0x3FA5] =	sst s3  }
0xc: {  	[smem:$0x3FA6] =	sst s4  }
0xd: {  	[smem:$0x3FA7] =	sst s5  }
0xe: {  	[smem:$0x3FA8] =	sst s6  }
0xf: {  	[smem:$0x3FA9] =	sst s7  }
0x10: {  	[smem:$0x3FAA] =	sst s8  }
0x11: {  	[smem:$0x3FAB] =	sst s9;
	s0 =	simm.s32 @!p0 $0x0  }
0x12: {  	s1 =	sld [smem:$0x3F91];
	s0 =	simm.s32 @p0 $0x1  }
0x13: {  	[smem:$0x3FAC] =	sst s0;
	s0 =	simm.s32 @!p1 $0x0  }
0x14: {  	s2 =	sld [smem:$0x3F90];
	s0 =	simm.s32 @p1 $0x1  }
0x15: {  	[smem:$0x3FAD] =	sst s0;
	s0 =	simm.s32 @!p2 $0x0  }
0x16: {  	s3 =	sld [smem:$0x3FDB];
	s0 =	simm.s32 @p2 $0x1  }
0x17: {  	s4 =	simm.s32 $0x1BF5;
	[smem:$0x3FAF] =	sst s0  }
0x18: {  	s0 =	sld [smem:$0x3F92];
	_ =	swait.ge [sflag:s4], $0x0  }
0x19: {  	s7 =	sld [smem:$0x3F93]  }
0x1a: {  	s8 =	sadd.s32 $0xFFFFE003, lr  }
0x1b: {  	s9 =	sadd.s32 $0xFFFFFEF7, lr;
	s5 =	simm.s32 $0xFFFFFFFF;
	p2 =	slt.u32 s8, $0xFFFFF086  }
0x1c: {  	p1 =	slt.u32 s9, $0xF7A;
	s5 =	simm.s32 @!p2 $0x0  }
0x1d: {  	s5 =	simm.s32 @p1 $0x1;
	p0 =	seq.s32 s7, s2  }
0x1e: {  	s7 =	smul.u32 @!p0 $0xF7A, s2;
	p2 =	seq.s32 @!p0 s5, $0x0  }
0x1f: {  	s9 =	smul.u32 $0xF7A, s1;
	s8 =	simm.s32 @!p0 $0x1BF5;
	p2 =	por !p2, p0  }
0x20: {  	[sflag:s8] =	ssyncset.s32 @!p0 $0xFFFFF086;
	s6 =	sadd.s32 @!p0 s3, s7;
	s7 =	simm.s32 @!p0 $0x108  }
0x21: {  	s3 =	sadd.s32 s3, s9;
	s6 =	sadd.s32 @!p0 $0x88, s6;
	s7 =	simm.s32 @p2 $0x1082  }
0x22: {  	[simem:s7], [sflag:s8] =	dma.local @!p0 [hbm:s6], $0xF7A  }
0x23: {  	s9 =	sor.u32 $0xD0000000, s2;
	s6 =	simm.s32 $0x108;
	_ =	swait.ge @!p0 [sflag:s8], $0x0  }
0x24: {  	s3 =	sadd.s32 $0x88, s3;
	s6 =	simm.s32 @!p1 $0x1082;
	[sflag:s4] =	ssyncset.s32 $0xFFFFF086  }
0x25: {  	[simem:s6], [sflag:s4] =	dma.local [hbm:s3], $0xF7A  }
0x26: {  	[smem:$0x3F93] =	sst s1;
	(tag) =	ssettag s2;
	_ =	strace s9  }
0x27: {  	s1 =	sld [smem:$0x3FA3]  }
0x28: {  	s2 =	sld [smem:$0x3FA4]  }
0x29: {  	s4 =	sld [smem:$0x3FA6]  }
0x2a: {  	p0 =	seq.s32 s5, $0x0;
	s5 =	sld [smem:$0x3FA7]  }
0x2b: {  	s6 =	sld [smem:$0x3FA8]  }
0x2c: {  	s7 =	sld [smem:$0x3FA9]  }
0x2d: {  	s3 =	simm.s32 $0x108;
	s8 =	sld [smem:$0x3FAA]  }
0x2e: {  	s3 =	simm.s32 @!p0 $0x1082;
	s9 =	sld [smem:$0x3FAB]  }
0x2f: {  	lr =	sadd.s32 s0, s3;
	s0 =	sld [smem:$0x3FA2]  }
0x30: {  	s3 =	sld [smem:$0x3FA5]  }
0x31: {  	[smem:$0x3FAE] =	sst s10  }
0x32: {  	s10 =	sld [smem:$0x3FAC];
	_ =	sdelay $0x3  }
0x33: {  	p0 =	seq.s32 s10, $0x1;
	s10 =	sld [smem:$0x3FAE];
	_ =	sdelay $0x3  }
0x34: {  	[smem:$0x3FAE] =	sst s10  }
0x35: {  	s10 =	sld [smem:$0x3FAD];
	_ =	sdelay $0x3  }
0x36: {  	p1 =	seq.s32 s10, $0x1;
	s10 =	sld [smem:$0x3FAE];
	_ =	sdelay $0x3  }
0x37: {  	[smem:$0x3FAE] =	sst s10  }
0x38: {  	s10 =	sld [smem:$0x3FAF]  }
0x39: {  	_ = 	snop;
	(pc) =	sbr.ind lr, $3  }
0x3a: {  	_ = 	snop  }
0x3b: {  	_ = 	snop  }
0x3c: {  	p2 =	seq.s32 s10, $0x1;
	s10 =	sld [smem:$0x3FAE]  }
0x3d: {  	_ =	shalt  }
0x3e: {  	_ =	shalt  }
0x3f: {  	_ =	shalt  }
0x40: {  	_ =	shalt  }
0x41: {  	_ =	shalt  }
0x42: {  	_ =	shalt  }
0x43: {  	_ =	shalt  }
0x44: {  	_ =	shalt  }
0x45: {  	_ =	shalt  }
0x46: {  	_ =	shalt  }
0x47: {  	_ =	shalt  }
0x48: {  	_ =	shalt  }
0x49: {  	_ =	shalt  }
0x4a: {  	_ =	shalt  }
0x4b: {  	_ =	shalt  }
0x4c: {  	_ =	shalt  }
0x4d: {  	_ =	shalt  }
0x4e: {  	_ =	shalt  }
0x4f: {  	_ =	shalt  }
0x50: {  	_ =	shalt  }
0x51: {  	_ =	shalt  }
0x52: {  	_ =	shalt  }
0x53: {  	_ =	shalt  }
0x54: {  	_ =	shalt  }
0x55: {  	_ =	shalt  }
0x56: {  	_ =	shalt  }
0x57: {  	_ =	shalt  }
0x58: {  	_ =	shalt  }
0x59: {  	_ =	shalt  }
0x5a: {  	_ =	shalt  }
0x5b: {  	_ =	shalt  }
0x5c: {  	_ =	shalt  }
0x5d: {  	_ =	shalt  }
0x5e: {  	_ =	shalt  }
0x5f: {  	_ =	shalt  }
0x60: {  	_ =	shalt  }
0x61: {  	_ =	shalt  }
0x62: {  	_ =	shalt  }
0x63: {  	_ =	shalt  }
0x64: {  	_ =	shalt  }
0x65: {  	_ =	shalt  }
0x66: {  	_ =	shalt  }
0x67: {  	_ =	shalt  }
0x68: {  	_ =	shalt  }
0x69: {  	_ =	shalt  }
0x6a: {  	_ =	shalt  }
0x6b: {  	_ =	shalt  }
0x6c: {  	_ =	shalt  }
0x6d: {  	_ =	shalt  }
0x6e: {  	_ =	shalt  }
0x6f: {  	_ =	shalt  }
0x70: {  	_ =	shalt  }
0x71: {  	_ =	shalt  }
0x72: {  	_ =	shalt  }
0x73: {  	_ =	shalt  }
0x74: {  	_ =	shalt  }
0x75: {  	_ =	shalt  }
0x76: {  	_ =	shalt  }
0x77: {  	_ =	shalt  }
0x78: {  	_ =	shalt  }
0x79: {  	_ =	shalt  }
0x7a: {  	_ =	shalt  }
0x7b: {  	_ =	shalt  }
0x7c: {  	_ =	shalt  }
0x7d: {  	_ =	shalt  }
0x7e: {  	_ =	shalt  }
0x7f: {  	_ =	shalt  }
0x80: {  	_ =	shalt  }
0x81: {  	_ =	shalt  }
0x82: {  	_ =	shalt  }
0x83: {  	_ =	shalt  }
0x84: {  	_ =	shalt  }
0x85: {  	_ =	shalt  }
0x86: {  	_ =	shalt  }
0x87: {  	_ =	shalt  }
.Lfunc_end0:
.L_simem_size_0:
called_computation_lowered:
.L_overlay_start_0:
0x88: {  	s2 =	sld [smem:$0x3FD9]  }
0x89: {  	s3 =	sld [smem:$0x3FFE];
	_ =	sdelay $0x1  }
0x8a: {  	s1 =	srdreg.scid  }
0x8b: {  	s0 =	sand.u32 $0x1, s1  }
0x8c: {  	s14 =	sshll.u32 s0, $0xA;
	s2 =	sadd.s32 s3, s2  }
0x8d: {  	s2 =	sadd.s32 s2, s14  }
0x8e: {  	[smem:$0x3FBA] =	sst s2  }
0x8f: {  	_ = 	snop  }
0x90: {  	s2 =	sld [smem:$0x3FD0];
	_ =	sdelay $0x1  }
0x91: {  	s15 =	sld [smem:$0x3FC7]  }
0x92: {  	s5 =	simm.s32 $0xA;
	s6 =	simm.s32 $0x10;
	s4 =	sld [smem:$0x3FC6]  }
0x93: {  	[smem:s6], [sflag:s5] =	dma.local [hbm:s2], $0x1  }
0x94: {  	_ =	swait.eq [sflag:s5], $0x1  }
0x95: {  	[sflag:s5] =	ssyncset.done $0x0  }
0x96: {  	s16 =	sld [smem:$0x10];
	[sflag:s5] =	ssyncadd.s32 $0xFFFFFFFF  }
0x97: {  	s17 =	sld [smem:$0x11];
	(tm) =	ssettm $0x1  }
0x98: {  	s18 =	sld [smem:$0x3FFB];
	_ =	sdelay $0x3  }
0x99: {  	_ =	strace s18  }
0x9a: {  	s6 =	sld [smem:$0x3FFC];
	_ =	sdelay $0x3  }
0x9b: {  	_ =	strace s6  }
0x9c: {  	s6 =	sld [smem:$0x3FFD];
	_ =	sdelay $0x3  }
0x9d: {  	_ =	strace s6  }
0x9e: {  	_ =	strace $0x8FFFFFFF  }
0x9f: {  	s19 =	sld [smem:$0x3FDB];
	_ =	sdelay $0x1  }
0xa0: {  	s7 =	simm.s32 $_scs_section_size  }
0xa1: {  	s8 =	simm.s32 $_size__tile_overlayer_lowered;
	s9 =	simm.s32 $_tile_overlayer_lowered  }
0xa2: {  	s22 =	simm.s32 $0x1BFF;
	s21 =	sshll.u32 s9, $0x1;
	s6 =	sadd.s32 s7, s19  }
0xa3: {  	s10 =	simm.s32 $0x0;
	s20 =	sshll.u32 s8, $0x1;
	s8 =	sadd.s32 s21, s6  }
0xa4: {  	[timem:s10], [sflag:s22] =	dma.local [hbm:s8], s20  }
0xa5: {  	_ =	swait.ge [sflag:s22], s20  }
0xa6: {  	s7 =	ssub.s32 $0x0, s20;
	[sflag:s22] =	ssyncset.done $0x0  }
0xa7: {  	[sflag:s22] =	ssyncadd.s32 s7;
	_ =	sdelay $0x1  }
0xa8: {  	s23 =	simm.s32 $0x1B8B  }
0xa9: {  	_ =	swait.ge [sflag:s23], $0x1  }
0xaa: {  	[sflag:s23] =	ssyncset.done $0x0  }
0xab: {  	s25 =	simm.s32 $0x1B8E;
	s24 =	sld [smem:$0x3FFE];
	[sflag:s23] =	ssyncadd.s32 $0xFFFFFFFF  }
0xac: {  	s26 =	simm.s32 $execute0_lowered;
	[smem:$0x3FD2] =	sst s25  }
0xad: {  	s8 =	sshll.u32 s26, $0x1;
	_ =	strace $0x80000046;
	[dreg:$0x1] =	wrdreg $0xFFFFFFFF  }
0xae: {  	s28 =	simm.s32 $_size_execute0_lowered;
	s6 =	sadd.s32 s6, s8;
	[dreg:$0x0] =	wrdreg $0x0  }
0xaf: {  	s8 =	sshll.u32 s28, $0x1;
	[dreg:$0x2] =	wrdreg s6  }
0xb0: {  	[dreg:$0x3] =	wrdreg s8  }
0xb1: {  	[dreg:$0x4] =	wrdreg $0xC0  }
0xb2: {  	_ =	task [dreg:s10], $0x5FFFF  }
0xb3: {  	[dreg:$0x1] =	wrdreg $0xFFFFFFFF  }
0xb4: {  	[dreg:$0x0] =	wrdreg $0x60  }
0xb5: {  	[dreg:$0x2] =	wrdreg s15  }
0xb6: {  	[dreg:$0x3] =	wrdreg s17  }
0xb7: {  	[dreg:$0x4] =	wrdreg s4  }
0xb8: {  	[dreg:$0x5] =	wrdreg s24  }
0xb9: {  	[dreg:$0x6] =	wrdreg s16  }
0xba: {  	[dreg:$0x7] =	wrdreg $0x9  }
0xbb: {  	_ =	task.clear_ibuf [dreg:s10], $0x8FFFF;
	_ =	strace $0x90000046  }
0xbc: {  	s29 =	simm.s32 $0x9;
	_ =	strace $0x80000048  }
0xbd: {  	_ =	swait.ge [sflag:s29], $0x1  }
0xbe: {  	[sflag:s29] =	ssyncadd.s32 $0xFFFFFFFF  }
0xbf: {  	_ =	strace $0x90000048  }
0xc0: {  	_ =	sfence  }
0xc1: {  	s30 =	sld [smem:$0x0];
	_ =	sdelay $0x2  }
0xc2: {  	s31 =	sshll.u32 s1, $0xD;
	s1 =	sshrl.u32 s1, $0x2  }
0xc3: {  	s3 =	sand.u32 $0x4000, s31;
	s1 =	sadd.s32 s1, s30  }
0xc4: {  	s0 =	sor.u32 s3, s0;
	s1 =	sshll.u32 s1, $0x11  }
0xc5: {  	s0 =	sor.u32 s1, s0  }
0xc6: {  	s0 =	sadd.s32 $0x8F2B, s0  }
0xc7: {  	[sflag:s0] =	ssyncadd.remote.s32 $0x1  }
0xc8: {  	_ =	sfence.sel $0xFFFF  }
0xc9: {  	[dreg:$0x0] =	wrdreg $0xFFFFFFFF;
	(pc) =	sbr.abs _section_cstart, $3  }
0xca: {  	[dreg:$0x1] =	wrdreg $0xFFFFFFFF  }
0xcb: {  	_ =	task.clear_ibuf [dreg:s10], $0x2FFFF;
	_ =	strace $0x9FFFFFFF  }
0xcc: {  	(tm) =	ssettm $0x7FFFFFFF  }
0xcd: {  	_ =	shalt  }
tec
execute0_lowered:
.L_overlay_start_1:
0x0: {  	(tag) =	ssettag $0x1  }
0x1: {  	s0 =	rddreg [dreg:$0x0]  }
0x2: {  	s3 =	rddreg [dreg:$0x1]  }
0x3: {  	s2 =	rddreg [dreg:$0x2]  }
0x4: {  	s4 =	srdreg.scid;
	s5 =	rddreg [dreg:$0x3]  }
0x5: {  	s7 =	rddreg [dreg:$0x4];
	s6 =	sand.u32 $0x1, s4;
	s4 =	simm.s32 $0x0  }
0x6: {  	s13 =	simm.s32 $0x80;
	[smem:$0x7FF] =	sst s4  }
0x7: {  	s14 =	simm.s32 $0x900;
	_ =	strace $0x80000047;
	[dreg:$0xa] =	wrdreg s13  }
0x8: {  	s1 =	stileid.u32;
	s15 =	simm.s32 $0x1100;
	[dreg:$0xb] =	wrdreg s14  }
0x9: {  	s16 =	simm.s32 $0x1900;
	s17 =	simm.s32 $0x2100;
	[dreg:$0xc] =	wrdreg s15  }
0xa: {  	s19 =	simm.s32 $0x2900;
	s20 =	simm.s32 $0x3100;
	[dreg:$0xd] =	wrdreg s16  }
0xb: {  	s22 =	simm.s32 $0x3900;
	s23 =	simm.s32 $0x4100;
	[dreg:$0xe] =	wrdreg s17  }
0xc: {  	s24 =	simm.s32 $0x4900;
	s25 =	simm.s32 $0x5100;
	[dreg:$0xf] =	wrdreg s19  }
0xd: {  	s26 =	simm.s32 $0x5900;
	s28 =	simm.s32 $0xE900;
	[dreg:$0x10] =	wrdreg s20  }
0xe: {  	s29 =	simm.s32 $0xF100;
	s30 =	simm.s32 $0xF900;
	[dreg:$0x11] =	wrdreg s22  }
0xf: {  	s31 =	simm.s32 $0x1;
	s8 =	sshll.u32 s1, $0x7;
	[dreg:$0x12] =	wrdreg s23  }
0x10: {  	s9 =	sshll.u32 s6, $0x6;
	s18 =	ssub.s32 $0x2, s6;
	[dreg:$0x13] =	wrdreg s24  }
0x11: {  	s8 =	sor.u32 s9, s8;
	s6 =	sshrl.u32 s18, $0x1;
	[dreg:$0x14] =	wrdreg s25  }
0x12: {  	[dreg:$0x15] =	wrdreg s26;
	s13 =	simm.s32 $0x7900;
	s14 =	simm.s32 $0x8100  }
0x13: {  	s15 =	simm.s32 $0x8900;
	s16 =	simm.s32 $0x9100;
	s17 =	simm.s32 $0x9900  }
0x14: {  	s19 =	simm.s32 $0xA900;
	s20 =	simm.s32 $0xB100;
	s22 =	simm.s32 $0xC100  }
0x15: {  	s23 =	simm.s32 $0xC900;
	s24 =	simm.s32 $0xD100;
	s25 =	simm.s32 $0xD900  }
0x16: {  	s26 =	simm.s32 $0xE100;
	s9 =	sshrl.u32 s8, $0x3;
	s8 =	sshll.u32 s8, $0x6  }
0x17: {  	s21 =	ssub.s32 s18, s6;
	s6 =	sadd.s32 $0x100, s2;
	s18 =	simm.s32 $0xA100  }
0x18: {  	s10 =	sadd.s32 s9, s5;
	s3 =	sadd.s32 s3, s9;
	s5 =	sadd.s32 s8, s5  }
0x19: {  	s11 =	sadd.s32 s7, s8;
	s7 =	smax.u32 s21, $0x1;
	s8 =	simm.s32 $0x3  }
0x1a: {  	s9 =	simm.s32 $0x100;
	s21 =	simm.s32 $0xB900;
	[dreg:$0x6] =	wrdreg s3  }
0x1b: {  	v2 =	vlaneseq.u32;
	s10 =	sadd.s32 $0x2600, s10;
	[dreg:$0x8] =	wrdreg s11;
	s12 =	sadd.s32 $0x2800, s5  }
0x1c: {  	vm0 =	vmmov $0xffff;
	v1 =	vshrl.u32 v2, $0x3;
	s5 =	sadd.s32 $0x100, s0;
	s11 =	simm.s32 $0x6900;
	[dreg:$0x7] =	wrdreg s10  }
0x1d: {  	v0 =	vand.u32 $0x7, v2;
	v2 =	vor.u32 $0x8, v2;
	v1 =	vmul.u32 $0x8, v1;
	s3 =	simm.s32 $0x2;
	[dreg:$0x9] =	wrdreg s12;
	s12 =	simm.s32 $0x7100  }
.LBB2_1:
0x1e: {  	s1 =	rddreg [dreg:$0x6]  }
0x1f: {  	[tilespmem:s4], [sflag:$0x3] =	stream.linear.gather [hbm4b:s1+s4], $0x40, $0x38;
	[tilespmem:$0x10100] =	vst v63  }
0x20: {  	_ =	swait.ge [sflag:s8], $0x40  }
0x21: {  	s1 =	rddreg [dreg:$0x7];
	[sflag:s8] =	ssyncset.done $0x0  }
0x22: {  	s10 =	rddreg [dreg:$0xa];
	[sflag:s8] =	ssyncadd.s32 $0xFFFFFFC0  }
0x23: {  	[tilespmem:s10], [sflag:$0x3] =	stream.linear.gather [hbm4b:s1+s4], $0x40, $0x38;
	[tilespmem:$0x10100] =	vst v63  }
0x24: {  	_ =	swait.ge [sflag:s8], $0x40  }
0x25: {  	[sflag:s8] =	ssyncset.done $0x0  }
0x26: {  	[sflag:s8] =	ssyncadd.s32 $0xFFFFFFC0  }
0x27: {  	v3 =	vld [tilespmem:$0x0];
	_ =	sdelay $0x4  }
0x28: {  	v4 =	vshll.u32 v3, $0x2  }
0x29: {  	v3 =	vand.u32 $0x7, v3;
	v4 =	vand.u32 $0xFFFFFFE0, v4  }
0x2a: {  	v3 =	vor.u32 v3, v4  }
0x2b: {  	v4 =	vperm.xlane v3, v0;
	_ =	sdelay $0x1  }
0x2c: {  	v4 =	vadd.s32 v1, v4;
	_ =	sdelay $0x1  }
0x2d: {  	v3 =	vperm.xlane v3, v2;
	_ =	sdelay $0x1  }
0x2e: {  	v3 =	vadd.s32 v1, v3  }
0x2f: {  	[tilespmem:s9], [sflag:$0x1] =	stream.indirect_vreg.gather [hbm4b:s0+s4], $0x80, v4, vm0, $0xb8;
	[tilespmem:$0x10100] =	vst v63  }
0x30: {  	s1 =	rddreg [dreg:$0xb]  }
0x31: {  	[tilespmem:s1], [sflag:$0x1] =	stream.indirect_vreg.gather [hbm4b:s5+s4], $0x80, v4, vm0, $0xb8;
	[tilespmem:$0x10100] =	vst v63  }
0x32: {  	s10 =	rddreg [dreg:$0xc]  }
0x33: {  	[tilespmem:s10], [sflag:$0x1] =	stream.indirect_vreg.gather [hbm4b:s0+s4], $0x80, v3, vm0, $0xb8;
	[tilespmem:$0x10100] =	vst v63  }
0x34: {  	s1 =	rddreg [dreg:$0xd]  }
0x35: {  	[tilespmem:s1], [sflag:$0x1] =	stream.indirect_vreg.gather [hbm4b:s5+s4], $0x80, v3, vm0, $0xb8;
	[tilespmem:$0x10100] =	vst v63  }
0x36: {  	v3 =	vld [tilespmem:$0x10];
	_ =	sdelay $0x4  }
0x37: {  	v57 =	vshll.u32 v3, $0x2  }
0x38: {  	v3 =	vand.u32 $0x7, v3;
	v4 =	vand.u32 $0xFFFFFFE0, v57  }
0x39: {  	v3 =	vor.u32 v3, v4  }
0x3a: {  	v4 =	vperm.xlane v3, v0;
	_ =	sdelay $0x1  }
0x3b: {  	v4 =	vadd.s32 v1, v4;
	_ =	sdelay $0x1  }
0x3c: {  	v3 =	vperm.xlane v3, v2;
	_ =	sdelay $0x1  }
0x3d: {  	s1 =	rddreg [dreg:$0xe];
	v3 =	vadd.s32 v1, v3  }
0x3e: {  	[tilespmem:s1], [sflag:$0x1] =	stream.indirect_vreg.gather [hbm4b:s0+s4], $0x80, v4, vm0, $0xb8;
	[tilespmem:$0x10100] =	vst v63  }
0x3f: {  	s10 =	rddreg [dreg:$0xf]  }
0x40: {  	[tilespmem:s10], [sflag:$0x1] =	stream.indirect_vreg.gather [hbm4b:s5+s4], $0x80, v4, vm0, $0xb8;
	[tilespmem:$0x10100] =	vst v63  }
0x41: {  	s1 =	rddreg [dreg:$0x10]  }
0x42: {  	[tilespmem:s1], [sflag:$0x1] =	stream.indirect_vreg.gather [hbm4b:s0+s4], $0x80, v3, vm0, $0xb8;
	[tilespmem:$0x10100] =	vst v63  }
0x43: {  	s10 =	rddreg [dreg:$0x11]  }
0x44: {  	[tilespmem:s10], [sflag:$0x1] =	stream.indirect_vreg.gather [hbm4b:s5+s4], $0x80, v3, vm0, $0xb8;
	[tilespmem:$0x10100] =	vst v63  }
0x45: {  	v3 =	vld [tilespmem:$0x20];
	_ =	sdelay $0x4  }
0x46: {  	v58 =	vshll.u32 v3, $0x2  }
0x47: {  	v3 =	vand.u32 $0x7, v3;
	v4 =	vand.u32 $0xFFFFFFE0, v58  }
0x48: {  	v3 =	vor.u32 v3, v4  }
0x49: {  	v4 =	vperm.xlane v3, v0;
	_ =	sdelay $0x1  }
0x4a: {  	v4 =	vadd.s32 v1, v4;
	_ =	sdelay $0x1  }
0x4b: {  	v3 =	vperm.xlane v3, v2;
	_ =	sdelay $0x1  }
0x4c: {  	s1 =	rddreg [dreg:$0x12];
	v3 =	vadd.s32 v1, v3  }
0x4d: {  	[tilespmem:s1], [sflag:$0x1] =	stream.indirect_vreg.gather [hbm4b:s0+s4], $0x80, v4, vm0, $0xb8;
	[tilespmem:$0x10100] =	vst v63  }
0x4e: {  	s10 =	rddreg [dreg:$0x13]  }
0x4f: {  	[tilespmem:s10], [sflag:$0x1] =	stream.indirect_vreg.gather [hbm4b:s5+s4], $0x80, v4, vm0, $0xb8;
	[tilespmem:$0x10100] =	vst v63  }
0x50: {  	s1 =	rddreg [dreg:$0x14]  }
0x51: {  	[tilespmem:s1], [sflag:$0x1] =	stream.indirect_vreg.gather [hbm4b:s0+s4], $0x80, v3, vm0, $0xb8;
	[tilespmem:$0x10100] =	vst v63  }
0x52: {  	s10 =	rddreg [dreg:$0x15]  }
0x53: {  	[tilespmem:s10], [sflag:$0x1] =	stream.indirect_vreg.gather [hbm4b:s5+s4], $0x80, v3, vm0, $0xb8;
	[tilespmem:$0x10100] =	vst v63  }
0x54: {  	v3 =	vld [tilespmem:$0x30];
	_ =	sdelay $0x4  }
0x55: {  	v59 =	vshll.u32 v3, $0x2  }
0x56: {  	v3 =	vand.u32 $0x7, v3;
	v4 =	vand.u32 $0xFFFFFFE0, v59  }
0x57: {  	v3 =	vor.u32 v3, v4  }
0x58: {  	v4 =	vperm.xlane v3, v0;
	_ =	sdelay $0x1  }
0x59: {  	v4 =	vadd.s32 v1, v4;
	_ =	sdelay $0x1  }
0x5a: {  	v3 =	vperm.xlane v3, v2;
	_ =	sdelay $0x1  }
0x5b: {  	s10 =	simm.s32 $0x6100;
	v3 =	vadd.s32 v1, v3  }
0x5c: {  	[tilespmem:s10], [sflag:$0x1] =	stream.indirect_vreg.gather [hbm4b:s0+s4], $0x80, v4, vm0, $0xb8;
	[tilespmem:$0x10100] =	vst v63  }
0x5d: {  	_ = 	snop  }
0x5e: {  	[tilespmem:s11], [sflag:$0x1] =	stream.indirect_vreg.gather [hbm4b:s5+s4], $0x80, v4, vm0, $0xb8;
	[tilespmem:$0x10100] =	vst v63  }
0x5f: {  	_ = 	snop  }
0x60: {  	[tilespmem:s12], [sflag:$0x1] =	stream.indirect_vreg.gather [hbm4b:s0+s4], $0x80, v3, vm0, $0xb8;
	[tilespmem:$0x10100] =	vst v63  }
0x61: {  	_ = 	snop  }
0x62: {  	[tilespmem:s13], [sflag:$0x1] =	stream.indirect_vreg.gather [hbm4b:s5+s4], $0x80, v3, vm0, $0xb8;
	[tilespmem:$0x10100] =	vst v63  }
0x63: {  	v3 =	vld [tilespmem:$0x80];
	_ =	sdelay $0x4  }
0x64: {  	v60 =	vshll.u32 v3, $0x2  }
0x65: {  	v3 =	vand.u32 $0x7, v3;
	v4 =	vand.u32 $0xFFFFFFE0, v60  }
0x66: {  	v3 =	vor.u32 v3, v4  }
0x67: {  	v4 =	vperm.xlane v3, v0;
	_ =	sdelay $0x1  }
0x68: {  	v4 =	vadd.s32 v1, v4;
	_ =	sdelay $0x1  }
0x69: {  	v3 =	vperm.xlane v3, v2;
	_ =	sdelay $0x1  }
0x6a: {  	v3 =	vadd.s32 v1, v3  }
0x6b: {  	[tilespmem:s14], [sflag:$0x2] =	stream.indirect_vreg.gather [hbm4b:s2+s4], $0x80, v4, vm0, $0xb8;
	[tilespmem:$0x10100] =	vst v63  }
0x6c: {  	_ = 	snop  }
0x6d: {  	[tilespmem:s15], [sflag:$0x2] =	stream.indirect_vreg.gather [hbm4b:s6+s4], $0x80, v4, vm0, $0xb8;
	[tilespmem:$0x10100] =	vst v63  }
0x6e: {  	_ = 	snop  }
0x6f: {  	[tilespmem:s16], [sflag:$0x2] =	stream.indirect_vreg.gather [hbm4b:s2+s4], $0x80, v3, vm0, $0xb8;
	[tilespmem:$0x10100] =	vst v63  }
0x70: {  	_ = 	snop  }
0x71: {  	[tilespmem:s17], [sflag:$0x2] =	stream.indirect_vreg.gather [hbm4b:s6+s4], $0x80, v3, vm0, $0xb8;
	[tilespmem:$0x10100] =	vst v63  }
0x72: {  	v3 =	vld [tilespmem:$0x90];
	_ =	sdelay $0x4  }
0x73: {  	v61 =	vshll.u32 v3, $0x2  }
0x74: {  	v3 =	vand.u32 $0x7, v3;
	v4 =	vand.u32 $0xFFFFFFE0, v61  }
0x75: {  	v3 =	vor.u32 v3, v4  }
0x76: {  	v4 =	vperm.xlane v3, v0;
	_ =	sdelay $0x1  }
0x77: {  	v4 =	vadd.s32 v1, v4;
	_ =	sdelay $0x1  }
0x78: {  	v3 =	vperm.xlane v3, v2;
	_ =	sdelay $0x1  }
0x79: {  	v3 =	vadd.s32 v1, v3  }
0x7a: {  	[tilespmem:s18], [sflag:$0x2] =	stream.indirect_vreg.gather [hbm4b:s2+s4], $0x80, v4, vm0, $0xb8;
	[tilespmem:$0x10100] =	vst v63  }
0x7b: {  	_ = 	snop  }
0x7c: {  	[tilespmem:s19], [sflag:$0x2] =	stream.indirect_vreg.gather [hbm4b:s6+s4], $0x80, v4, vm0, $0xb8;
	[tilespmem:$0x10100] =	vst v63  }
0x7d: {  	_ = 	snop  }
0x7e: {  	[tilespmem:s20], [sflag:$0x2] =	stream.indirect_vreg.gather [hbm4b:s2+s4], $0x80, v3, vm0, $0xb8;
	[tilespmem:$0x10100] =	vst v63  }
0x7f: {  	_ = 	snop  }
0x80: {  	[tilespmem:s21], [sflag:$0x2] =	stream.indirect_vreg.gather [hbm4b:s6+s4], $0x80, v3, vm0, $0xb8;
	[tilespmem:$0x10100] =	vst v63  }
0x81: {  	v3 =	vld [tilespmem:$0xA0];
	_ =	sdelay $0x4  }
0x82: {  	v62 =	vshll.u32 v3, $0x2  }
0x83: {  	v3 =	vand.u32 $0x7, v3;
	v4 =	vand.u32 $0xFFFFFFE0, v62  }
0x84: {  	v3 =	vor.u32 v3, v4  }
0x85: {  	v4 =	vperm.xlane v3, v0;
	_ =	sdelay $0x1  }
0x86: {  	v4 =	vadd.s32 v1, v4;
	_ =	sdelay $0x1  }
0x87: {  	v3 =	vperm.xlane v3, v2;
	_ =	sdelay $0x1  }
0x88: {  	v3 =	vadd.s32 v1, v3  }
0x89: {  	[tilespmem:s22], [sflag:$0x2] =	stream.indirect_vreg.gather [hbm4b:s2+s4], $0x80, v4, vm0, $0xb8;
	[tilespmem:$0x10100] =	vst v63  }
0x8a: {  	_ = 	snop  }
0x8b: {  	[tilespmem:s23], [sflag:$0x2] =	stream.indirect_vreg.gather [hbm4b:s6+s4], $0x80, v4, vm0, $0xb8;
	[tilespmem:$0x10100] =	vst v63  }
0x8c: {  	_ = 	snop  }
0x8d: {  	[tilespmem:s24], [sflag:$0x2] =	stream.indirect_vreg.gather [hbm4b:s2+s4], $0x80, v3, vm0, $0xb8;
	[tilespmem:$0x10100] =	vst v63  }
0x8e: {  	_ = 	snop  }
0x8f: {  	[tilespmem:s25], [sflag:$0x2] =	stream.indirect_vreg.gather [hbm4b:s6+s4], $0x80, v3, vm0, $0xb8;
	[tilespmem:$0x10100] =	vst v63  }
0x90: {  	v3 =	vld [tilespmem:$0xB0];
	_ =	sdelay $0x4  }
0x91: {  	v63 =	vshll.u32 v3, $0x2  }
0x92: {  	v3 =	vand.u32 $0x7, v3;
	v4 =	vand.u32 $0xFFFFFFE0, v63  }
0x93: {  	v3 =	vor.u32 v3, v4  }
0x94: {  	v4 =	vperm.xlane v3, v0;
	_ =	sdelay $0x1  }
0x95: {  	v4 =	vadd.s32 v1, v4;
	_ =	sdelay $0x1  }
0x96: {  	v3 =	vperm.xlane v3, v2;
	_ =	sdelay $0x1  }
0x97: {  	v3 =	vadd.s32 v1, v3  }
0x98: {  	[tilespmem:s26], [sflag:$0x2] =	stream.indirect_vreg.gather [hbm4b:s2+s4], $0x80, v4, vm0, $0xb8;
	[tilespmem:$0x10100] =	vst v63  }
0x99: {  	_ = 	snop  }
0x9a: {  	[tilespmem:s28], [sflag:$0x2] =	stream.indirect_vreg.gather [hbm4b:s6+s4], $0x80, v4, vm0, $0xb8;
	[tilespmem:$0x10100] =	vst v63  }
0x9b: {  	_ = 	snop  }
0x9c: {  	[tilespmem:s29], [sflag:$0x2] =	stream.indirect_vreg.gather [hbm4b:s2+s4], $0x80, v3, vm0, $0xb8;
	[tilespmem:$0x10100] =	vst v63  }
0x9d: {  	_ = 	snop  }
0x9e: {  	[tilespmem:s30], [sflag:$0x2] =	stream.indirect_vreg.gather [hbm4b:s6+s4], $0x80, v3, vm0, $0xb8;
	[tilespmem:$0x10100] =	vst v63  }
0x9f: {  	_ =	swait.ge [sflag:s31], $0x8000  }
0xa0: {  	[sflag:s31] =	ssyncset.done $0x0  }
0xa1: {  	s10 =	rddreg [dreg:$0x8];
	[sflag:s31] =	ssyncadd.s32 $0xFFFF8000  }
0xa2: {  	[hbm4b:s10+s4] =	stream.linear.scatter [tilespmem:s9], [sflag:$0x3], $0x8000, $0x38;
	[tilespmem:$0x10100] =	vst v63  }
0xa3: {  	_ =	swait.ge [sflag:s8], $0x8000  }
0xa4: {  	[sflag:s8] =	ssyncset.done $0x0  }
0xa5: {  	[sflag:s8] =	ssyncadd.s32 $0xFFFF8000  }
0xa6: {  	_ =	swait.ge [sflag:s3], $0x8000  }
0xa7: {  	p0 =	sne.s32 s7, $0x1;
	[sflag:s3] =	ssyncset.done $0x0  }
.Ltmp0:
0xa8: {  	s10 =	rddreg [dreg:$0x9];
	[sflag:s3] =	ssyncadd.s32 $0xFFFF8000;
	(pc) =	sbr.rel @p0 .LBB2_1-.Ltmp0, $4  }
0xa9: {  	[hbm4b:s10+s4] =	stream.linear.scatter [tilespmem:s14], [sflag:$0x3], $0x8000, $0x38;
	[tilespmem:$0x10100] =	vst v63  }
0xaa: {  	_ =	swait.ge [sflag:s8], $0x8000  }
0xab: {  	[sflag:s8] =	ssyncset.done $0x0  }
0xac: {  	s7 =	sadd.s32 $0xFFFFFFFF, s7;
	[sflag:s8] =	ssyncadd.s32 $0xFFFF8000  }
0xad: {  	_ =	sfence.sel $0x180000  }
0xae: {  	[bflag:$0x0] =	sbarrier.arrive $0xFFFF  }
0xaf: {  	_ =	strace $0x90000047  }
0xb0: {  	s0 =	stileid.u32;
	[bflag:$0x2] =	sbarrier.arrive $0xFFFF  }
0xb1: {  	p0 =	sne.s32 s0, $0x0;
	s0 =	rddreg [dreg:$0x5]  }
0xb2: {  	s0 =	sadd.s32 @!p0 $0x100000, s0  }
0xb3: {  	[sflag:s0] =	ssyncadd.tile.s32 @!p0 $0x1;
	_ =	shalt  }
.Lfunc_end2:
_tile_overlayer_lowered:
.L_overlay_start_2:
0xb4: {  	(tag) =	ssettag $0x2  }
0xb5: {  	s0 =	rddreg [dreg:$0x0];
	s2 =	stileid.u32  }
0xb6: {  	s1 =	rddreg [dreg:$0x1];
	p0 =	sne.s32 s2, $0x0  }
0xb7: {  	s3 =	rddreg [dreg:$0x2];
	[bflag:$0x3] =	sbarrier.arrive $0xFFFF;
	s2 =	simm.s32 @!p0 $0x1C03  }
0xb8: {  	[timem:s3], [sflag:s2] =	dma.local @!p0 [hbm:s0], s1  }
0xb9: {  	s0 =	simm.s32 @!p0 $0x3  }
0xba: {  	_ =	swait.ge @!p0 [sflag:s0], s1  }
0xbb: {  	s1 =	ssub.s32 @!p0 $0x0, s1;
	[sflag:s0] =	ssyncset.done @!p0 $0x0  }
0xbc: {  	[sflag:s0] =	ssyncadd.s32 @!p0 s1  }
0xbd: {  	[bflag:$0x3] =	sbarrier.arrive $0xFFFF  }
0xbe: {  	_ =	shalt  }

</sc_bundles>
